<compile_context>
chip_gen: v7x
topology: tpu7x:2x2x1
jax: 0.10.2.dev20260603
libtpu: 0.0.44.dev20260713+nightly
codegen_flags: <defaults>
</compile_context>

<pallas_src>
import functools

import jax
import jax.numpy as jnp
from jax import lax
from jax.experimental import pallas as pl
from jax.experimental.pallas import tpu as pltpu
from jax.experimental.pallas import tpu_sc as plsc

_B = 16384
_C = 1000
_BLK = 512
_NC, _NS, _L = 2, 16, 16
_NW = _NC * _NS
_R = 16
_S = 2048

_LN2 = 0.6931471805599453
_P = (1.4720650105289716e-06, 0.9998476974962408, -0.4973732161580116,
      0.3157473167582232, -0.19035433673352936, 0.08269123711180565,
      -0.017414077524380872)


def _softplus16(y):
    a = jnp.exp(y) + 1.0
    i = plsc.bitcast(a, jnp.int32)
    e = (i >> 23) - 127
    m = plsc.bitcast((i & 0x007FFFFF) | 0x3F800000, jnp.float32)
    f = m - 1.0
    p = jnp.float32(_P[6])
    for k in (5, 4, 3, 2, 1, 0):
        p = p * f + jnp.float32(_P[k])
    return e.astype(jnp.float32) * jnp.float32(_LN2) + p


_rpw = _S // _NW
_n_chunks = _rpw // _R


def _sc_body(logits_hbm, tgt_hbm, cost_hbm, out_hbm,
             idx_v, cost_v, logi_v, acc_v, gsem, lsem):
    wid = lax.axis_index("s") * _NC + lax.axis_index("c")
    base = wid * _rpw
    pltpu.sync_copy(tgt_hbm.at[pl.ds(base, _rpw)], idx_v)

    def start(c, buf):
        pltpu.async_copy(cost_hbm.at[idx_v.at[pl.ds(c * _R, _R)]],
                         cost_v.at[buf], gsem)
        pltpu.async_copy(logits_hbm.at[pl.ds(base + c * _R, _R), :],
                         logi_v.at[buf], lsem)

    def wait(buf):
        pltpu.make_async_copy(cost_hbm.at[pl.ds(0, _R)], cost_v.at[buf], gsem).wait()
        pltpu.make_async_copy(logits_hbm.at[pl.ds(0, _R), :], logi_v.at[buf], lsem).wait()

    start(0, 0)
    lane = lax.iota(jnp.int32, _L)

    def chunk_body(c, acc):
        buf = lax.rem(c, 2)

        @pl.when(c + 1 < _n_chunks)
        def _():
            start(c + 1, 1 - buf)

        wait(buf)

        def row_body(r, acc):
            def col_body(j, acc):
                y = (logi_v[buf, r, pl.ds(j * _L, _L)]
                     - cost_v[buf, r, pl.ds(j * _L, _L)])
                return acc + _softplus16(y)
            acc = lax.fori_loop(0, 62, col_body, acc, unroll=4)
            y = (logi_v[buf, r, pl.ds(984, _L)]
                 - cost_v[buf, r, pl.ds(984, _L)])
            sp = _softplus16(y)
            return acc + jnp.where(lane >= 8, sp, 0.0)

        acc = lax.fori_loop(0, _R, row_body, acc)

        def corr_body(g, acc):
            t16 = idx_v[pl.ds(c * _R + g * _L, _L)]
            rows = lane + g * _L
            lg = plsc.load_gather(logi_v.at[buf], [rows, t16])
            cg = plsc.load_gather(cost_v.at[buf], [rows, t16])
            return acc - (lg - cg)
        acc = lax.fori_loop(0, _R // _L, corr_body, acc)
        return acc

    acc = lax.fori_loop(0, _n_chunks, chunk_body, jnp.zeros((_L,), jnp.float32))
    acc_v[...] = acc
    pltpu.sync_copy(acc_v, out_hbm.at[pl.ds(wid * _L, _L)])


_sc_partial = functools.partial(
    pl.kernel,
    mesh=plsc.VectorSubcoreMesh(core_axis_name="c", subcore_axis_name="s"),
    out_type=jax.ShapeDtypeStruct((_NW * _L,), jnp.float32),
    compiler_params=pltpu.CompilerParams(needs_layout_passes=False,
                                         use_tc_tiling_on_sc=False),
    scratch_types=[
        pltpu.VMEM((_rpw,), jnp.int32),
        pltpu.VMEM((2, _R, _C), jnp.float32),
        pltpu.VMEM((2, _R, _C), jnp.float32),
        pltpu.VMEM((_L,), jnp.float32),
        pltpu.SemaphoreType.DMA,
        pltpu.SemaphoreType.DMA,
    ],
)(_sc_body)


def _tc_body(tgt_ref, logits_ref, cost_ref, out_ref):
    t = tgt_ref[...]
    lane = jax.lax.broadcasted_iota(jnp.int32, (_BLK, _C), 1)
    eq = lane == t
    onehot = jnp.where(eq, jnp.float32(1.0), jnp.float32(0.0)).astype(jnp.bfloat16)
    ct = jnp.dot(onehot, cost_ref[...], preferred_element_type=jnp.float32)
    delta = jnp.where(eq, jnp.float32(-1.0), jnp.float32(1.0))
    x = delta * (logits_ref[...] - ct)
    part = jnp.sum(jnp.log1p(jnp.exp(x)), keepdims=True).reshape(1, 1)

    @pl.when(pl.program_id(0) == 0)
    def _init():
        out_ref[...] = jnp.zeros_like(out_ref)

    out_ref[...] += part


def kernel(logits, targets, cost_matrix):
    t32 = targets.astype(jnp.int32)
    sc_parts = _sc_partial(logits[:_S], t32[:_S], cost_matrix)

    t2 = t32.reshape(_B, 1)
    cbf = cost_matrix.astype(jnp.bfloat16)
    off = _S // _BLK
    tc_total = pl.pallas_call(
        _tc_body,
        grid=((_B - _S) // _BLK,),
        in_specs=[
            pl.BlockSpec((_BLK, 1), lambda i: (off + i, 0)),
            pl.BlockSpec((_BLK, _C), lambda i: (off + i, 0)),
            pl.BlockSpec((_C, _C), lambda i: (0, 0)),
        ],
        out_specs=pl.BlockSpec((1, 1), lambda i: (0, 0)),
        out_shape=jax.ShapeDtypeStruct((1, 1), jnp.float32),
    )(t2, logits, cbf)
    total = tc_total[0, 0] + jnp.sum(sc_parts)
    return (total / (_B * _C)).astype(jnp.float32)

# --- scband reference (transcript-rebuilt; emitter-appended) ---
"""Pipeline reference for scband-sosrloss-56229711839509 (READ-ONLY COPY).

The authoritative reference and input builder live on the scoring server;
editing this copy changes nothing except your own understanding.
"""

import jax, jax.numpy as jnp
import numpy as np

BATCH = 16384
NUM_CLASSES = 1000


def setup_inputs(seed: int = 0) -> dict:
    key = jax.random.key(seed)
    k1, k2, k3 = jax.random.split(key, 3)
    logits = jax.random.normal(k1, (BATCH, NUM_CLASSES), dtype=jnp.float32)
    targets = jax.random.randint(k2, (BATCH,), 0, NUM_CLASSES, dtype=jnp.int64)
    # learned/init parameter: cost matrix [num_classes, num_classes]
    cost_matrix = jax.random.uniform(k3, (NUM_CLASSES, NUM_CLASSES), dtype=jnp.float32)
    return {"logits": logits, "targets": targets, "cost_matrix": cost_matrix}


def reference(logits, targets, cost_matrix):
    # cost_table = cost_matrix[targets]  (row gather)
    cost_table = jnp.take(cost_matrix, targets, axis=0)
    # delta = ones; delta[i, targets[i]] = -1  (scatter-overwrite along dim 1)
    batch = logits.shape[0]
    delta = jnp.ones_like(cost_table)
    delta = delta.at[jnp.arange(batch), targets].set(-1.0)
    loss = jnp.log1p(jnp.exp(delta * (logits - cost_table)))
    return loss.mean()

if __name__ == "__main__":
    import jax
    _d = setup_inputs()
    print(jax.jit(kernel)(*tuple(_d.values())))

</pallas_src>

<mosaic_0001>
#map = affine_map<(d0, d1) -> (0, 0)>
#map1 = affine_map<(d0, d1) -> (0)>
module attributes {stable_mosaic.version = 14 : i64} {
  func.func @_sc_body(%arg0: i32, %arg1: i32, %arg2: memref<2048x1000xf32, #tpu.memory_space<hbm>>, %arg3: memref<2048xi32, #tpu.memory_space<hbm>>, %arg4: memref<1000x1000xf32, #tpu.memory_space<hbm>>, %arg5: memref<512xf32, #tpu.memory_space<hbm>>, %arg6: memref<64xi32, #tpu.memory_space<vmem>>, %arg7: memref<2x16x1000xf32, #tpu.memory_space<vmem>>, %arg8: memref<2x16x1000xf32, #tpu.memory_space<vmem>>, %arg9: memref<16xf32, #tpu.memory_space<vmem>>, %arg10: memref<!tpu.dma_semaphore, #tpu.memory_space<semaphore_mem>>, %arg11: memref<!tpu.dma_semaphore, #tpu.memory_space<semaphore_mem>>) attributes {dimension_semantics = [#tpu.dimension_semantics<core_parallel>, #tpu.dimension_semantics<subcore_parallel>], iteration_bounds = array<i64: 2, 16>, scalar_prefetch = 0 : i64, scratch_operands = 6 : i64, tpu.core_type = #tpu.core_type<sc_vector_subcore>, window_params = [{transform_indices = #map}, {transform_indices = #map1}, {transform_indices = #map}, {transform_indices = #map1}]} {
    %mul3A = arith.constant 2 : i32
    %mul3A_0 = arith.muli %arg1, %mul3A : i32
    %add3A = arith.addi %mul3A_0, %arg0 : i32
    %mul3A_1 = arith.constant 64 : i32
    %mul3A_2 = arith.muli %add3A, %mul3A_1 : i32
    "tpu.region"() ({
      %run_scoped3A = tpu.sem_alloc : memref<!tpu.dma_semaphore, #tpu.memory_space<semaphore_mem>>
      %dma_start3A_36 = tpu.memref_slice %arg3[%mul3A_2] : memref<2048xi32, #tpu.memory_space<hbm>> -> memref<64xi32, #tpu.memory_space<hbm>>
      %dma_start3A_37 = tpu.memref_slice %arg3[%mul3A_2] : memref<2048xi32, #tpu.memory_space<hbm>> -> memref<64xi32, #tpu.memory_space<hbm>>
      tpu.enqueue_dma source(%dma_start3A_37 : memref<64xi32, #tpu.memory_space<hbm>>) target(%arg6 : memref<64xi32, #tpu.memory_space<vmem>>) target_semaphore(%run_scoped3A : memref<!tpu.dma_semaphore, #tpu.memory_space<semaphore_mem>>)
      %dma_wait3A = tpu.memref_slice %arg3[%mul3A_2] : memref<2048xi32, #tpu.memory_space<hbm>> -> memref<64xi32, #tpu.memory_space<hbm>>
      %dma_wait3A_38 = tpu.memref_slice %arg3[%mul3A_2] : memref<2048xi32, #tpu.memory_space<hbm>> -> memref<64xi32, #tpu.memory_space<hbm>>
      tpu.wait_dma2 semaphore(%run_scoped3A : memref<!tpu.dma_semaphore, #tpu.memory_space<semaphore_mem>>) src(%dma_wait3A_38 : memref<64xi32, #tpu.memory_space<hbm>>) dst(%arg6 : memref<64xi32, #tpu.memory_space<vmem>>)
      tpu.yield
    }) : () -> ()
    %dma_start3A = arith.constant 0 : i32
    %dma_start3A_3 = arith.constant 0 : i32
    %dma_start3A_4 = arith.constant 0 : i32
    %dma_start3A_5 = tpu.memref_slice %arg7[%dma_start3A, %dma_start3A_3, %dma_start3A_4] : memref<2x16x1000xf32, #tpu.memory_space<vmem>> -> memref<1x16x1000xf32, #tpu.memory_space<vmem>>
    %dma_start3A_6 = tpu.memref_squeeze %dma_start3A_5 : memref<1x16x1000xf32, #tpu.memory_space<vmem>> -> memref<16x1000xf32, #tpu.memory_space<vmem>>
    %dma_start3A_7 = arith.constant 0 : i32
    %dma_start3A_8 = tpu.memref_slice %arg6[%dma_start3A_7] : memref<64xi32, #tpu.memory_space<vmem>> -> memref<16xi32, #tpu.memory_space<vmem>>
    %dma_start3A_9 = arith.constant 0 : i32
    %dma_start3A_10 = arith.constant 0 : i32
    %dma_start3A_11 = tpu.memref_slice %arg4[%dma_start3A_9, %dma_start3A_10] : memref<1000x1000xf32, #tpu.memory_space<hbm>> -> memref<1000x1000xf32, #tpu.memory_space<hbm>>
    tpu.enqueue_indirect_dma source(%dma_start3A_11 : memref<1000x1000xf32, #tpu.memory_space<hbm>>) target(%dma_start3A_6 : memref<16x1000xf32, #tpu.memory_space<vmem>>) offsets(%dma_start3A_8 : memref<16xi32, #tpu.memory_space<vmem>>) semaphore(%arg10 : memref<!tpu.dma_semaphore, #tpu.memory_space<semaphore_mem>>)
    %add3A_12 = arith.constant 0 : i32
    %add3A_13 = arith.addi %mul3A_2, %add3A_12 : i32
    %dma_start3A_14 = arith.constant 0 : i32
    %dma_start3A_15 = arith.constant 0 : i32
    %dma_start3A_16 = arith.constant 0 : i32
    %dma_start3A_17 = tpu.memref_slice %arg8[%dma_start3A_14, %dma_start3A_15, %dma_start3A_16] : memref<2x16x1000xf32, #tpu.memory_space<vmem>> -> memref<1x16x1000xf32, #tpu.memory_space<vmem>>
    %dma_start3A_18 = tpu.memref_squeeze %dma_start3A_17 : memref<1x16x1000xf32, #tpu.memory_space<vmem>> -> memref<16x1000xf32, #tpu.memory_space<vmem>>
    %dma_start3A_19 = arith.constant 0 : i32
    %dma_start3A_20 = tpu.memref_slice %arg2[%add3A_13, %dma_start3A_19] : memref<2048x1000xf32, #tpu.memory_space<hbm>> -> memref<16x1000xf32, #tpu.memory_space<hbm>>
    %dma_start3A_21 = arith.constant 0 : i32
    %dma_start3A_22 = arith.constant 0 : i32
    %dma_start3A_23 = tpu.memref_slice %arg8[%dma_start3A_14, %dma_start3A_21, %dma_start3A_22] : memref<2x16x1000xf32, #tpu.memory_space<vmem>> -> memref<1x16x1000xf32, #tpu.memory_space<vmem>>
    %dma_start3A_24 = tpu.memref_squeeze %dma_start3A_23 : memref<1x16x1000xf32, #tpu.memory_space<vmem>> -> memref<16x1000xf32, #tpu.memory_space<vmem>>
    %dma_start3A_25 = arith.constant 0 : i32
    %dma_start3A_26 = tpu.memref_slice %arg2[%add3A_13, %dma_start3A_25] : memref<2048x1000xf32, #tpu.memory_space<hbm>> -> memref<16x1000xf32, #tpu.memory_space<hbm>>
    tpu.enqueue_dma source(%dma_start3A_26 : memref<16x1000xf32, #tpu.memory_space<hbm>>) target(%dma_start3A_24 : memref<16x1000xf32, #tpu.memory_space<vmem>>) target_semaphore(%arg11 : memref<!tpu.dma_semaphore, #tpu.memory_space<semaphore_mem>>)
    %iota3A = tpu.iota {dimensions = array<i32: 0>} : vector<16xi32>
    %broadcast_in_dim3A = arith.constant 0.000000e+00 : f32
    %broadcast_in_dim3A_27 = vector.broadcast %broadcast_in_dim3A : f32 to vector<16xf32>
    %scan3A = arith.constant 0 : i32
    %scan3A_28 = arith.constant 4 : i32
    %scan3A_29 = arith.addi %scan3A, %scan3A_28 : i32
    %scan3A_30 = arith.constant 1 : i32
    %scan3A_31 = scf.for %scan3A_36 = %scan3A to %scan3A_29 step %scan3A_30 iter_args(%scan3A_37 = %broadcast_in_dim3A_27) -> (vector<16xf32>)  : i32 {
      %rem3A = arith.constant 2 : i32
      %rem3A_38 = arith.remsi %scan3A_36, %rem3A : i32
      %add3A_39 = arith.constant 1 : i32
      %add3A_40 = arith.addi %scan3A_36, %add3A_39 : i32
      %lt3A = arith.constant 4 : i32
      %lt3A_41 = arith.cmpi slt, %add3A_40, %lt3A : i32
      %convert_element_type3A = arith.extui %lt3A_41 : i1 to i32
      %cond3A = arith.constant 0 : i32
      %cond3A_42 = arith.cmpi ne, %convert_element_type3A, %cond3A : i32
      scf.if %cond3A_42 {
        %add3A_98 = arith.constant 1 : i32
        %add3A_99 = arith.addi %scan3A_36, %add3A_98 : i32
        %sub3A_100 = arith.constant 1 : i32
        %sub3A_101 = arith.subi %sub3A_100, %rem3A_38 : i32
        %mul3A_102 = arith.constant 16 : i32
        %mul3A_103 = arith.muli %add3A_99, %mul3A_102 : i32
        %dma_start3A_104 = arith.constant 0 : i32
        %dma_start3A_105 = arith.constant 0 : i32
        %dma_start3A_106 = tpu.memref_slice %arg7[%sub3A_101, %dma_start3A_104, %dma_start3A_105] : memref<2x16x1000xf32, #tpu.memory_space<vmem>> -> memref<1x16x1000xf32, #tpu.memory_space<vmem>>
        %dma_start3A_107 = tpu.memref_squeeze %dma_start3A_106 : memref<1x16x1000xf32, #tpu.memory_space<vmem>> -> memref<16x1000xf32, #tpu.memory_space<vmem>>
        %dma_start3A_108 = tpu.memref_slice %arg6[%mul3A_103] : memref<64xi32, #tpu.memory_space<vmem>> -> memref<16xi32, #tpu.memory_space<vmem>>
        %dma_start3A_109 = arith.constant 0 : i32
        %dma_start3A_110 = arith.constant 0 : i32
        %dma_start3A_111 = tpu.memref_slice %arg4[%dma_start3A_109, %dma_start3A_110] : memref<1000x1000xf32, #tpu.memory_space<hbm>> -> memref<1000x1000xf32, #tpu.memory_space<hbm>>
        tpu.enqueue_indirect_dma source(%dma_start3A_111 : memref<1000x1000xf32, #tpu.memory_space<hbm>>) target(%dma_start3A_107 : memref<16x1000xf32, #tpu.memory_space<vmem>>) offsets(%dma_start3A_108 : memref<16xi32, #tpu.memory_space<vmem>>) semaphore(%arg10 : memref<!tpu.dma_semaphore, #tpu.memory_space<semaphore_mem>>)
        %mul3A_112 = arith.constant 16 : i32
        %mul3A_113 = arith.muli %add3A_99, %mul3A_112 : i32
        %add3A_114 = arith.addi %mul3A_2, %mul3A_113 : i32
        %dma_start3A_115 = arith.constant 0 : i32
        %dma_start3A_116 = arith.constant 0 : i32
        %dma_start3A_117 = tpu.memref_slice %arg8[%sub3A_101, %dma_start3A_115, %dma_start3A_116] : memref<2x16x1000xf32, #tpu.memory_space<vmem>> -> memref<1x16x1000xf32, #tpu.memory_space<vmem>>
        %dma_start3A_118 = tpu.memref_squeeze %dma_start3A_117 : memref<1x16x1000xf32, #tpu.memory_space<vmem>> -> memref<16x1000xf32, #tpu.memory_space<vmem>>
        %dma_start3A_119 = arith.constant 0 : i32
        %dma_start3A_120 = tpu.memref_slice %arg2[%add3A_114, %dma_start3A_119] : memref<2048x1000xf32, #tpu.memory_space<hbm>> -> memref<16x1000xf32, #tpu.memory_space<hbm>>
        %dma_start3A_121 = arith.constant 0 : i32
        %dma_start3A_122 = arith.constant 0 : i32
        %dma_start3A_123 = tpu.memref_slice %arg8[%sub3A_101, %dma_start3A_121, %dma_start3A_122] : memref<2x16x1000xf32, #tpu.memory_space<vmem>> -> memref<1x16x1000xf32, #tpu.memory_space<vmem>>
        %dma_start3A_124 = tpu.memref_squeeze %dma_start3A_123 : memref<1x16x1000xf32, #tpu.memory_space<vmem>> -> memref<16x1000xf32, #tpu.memory_space<vmem>>
        %dma_start3A_125 = arith.constant 0 : i32
        %dma_start3A_126 = tpu.memref_slice %arg2[%add3A_114, %dma_start3A_125] : memref<2048x1000xf32, #tpu.memory_space<hbm>> -> memref<16x1000xf32, #tpu.memory_space<hbm>>
        tpu.enqueue_dma source(%dma_start3A_126 : memref<16x1000xf32, #tpu.memory_space<hbm>>) target(%dma_start3A_124 : memref<16x1000xf32, #tpu.memory_space<vmem>>) target_semaphore(%arg11 : memref<!tpu.dma_semaphore, #tpu.memory_space<semaphore_mem>>)
      } else {
      }
      %dma_wait3A = arith.constant 0 : i32
      %dma_wait3A_43 = arith.constant 0 : i32
      %dma_wait3A_44 = tpu.memref_slice %arg7[%rem3A_38, %dma_wait3A, %dma_wait3A_43] : memref<2x16x1000xf32, #tpu.memory_space<vmem>> -> memref<1x16x1000xf32, #tpu.memory_space<vmem>>
      %dma_wait3A_45 = tpu.memref_squeeze %dma_wait3A_44 : memref<1x16x1000xf32, #tpu.memory_space<vmem>> -> memref<16x1000xf32, #tpu.memory_space<vmem>>
      %dma_wait3A_46 = arith.constant 0 : i32
      %dma_wait3A_47 = arith.constant 0 : i32
      %dma_wait3A_48 = tpu.memref_slice %arg4[%dma_wait3A_46, %dma_wait3A_47] : memref<1000x1000xf32, #tpu.memory_space<hbm>> -> memref<16x1000xf32, #tpu.memory_space<hbm>>
      %dma_wait3A_49 = arith.constant 0 : i32
      %dma_wait3A_50 = arith.constant 0 : i32
      %dma_wait3A_51 = tpu.memref_slice %arg7[%rem3A_38, %dma_wait3A_49, %dma_wait3A_50] : memref<2x16x1000xf32, #tpu.memory_space<vmem>> -> memref<1x16x1000xf32, #tpu.memory_space<vmem>>
      %dma_wait3A_52 = tpu.memref_squeeze %dma_wait3A_51 : memref<1x16x1000xf32, #tpu.memory_space<vmem>> -> memref<16x1000xf32, #tpu.memory_space<vmem>>
      %dma_wait3A_53 = arith.constant 0 : i32
      %dma_wait3A_54 = arith.constant 0 : i32
      %dma_wait3A_55 = tpu.memref_slice %arg4[%dma_wait3A_53, %dma_wait3A_54] : memref<1000x1000xf32, #tpu.memory_space<hbm>> -> memref<16x1000xf32, #tpu.memory_space<hbm>>
      tpu.wait_dma2 semaphore(%arg10 : memref<!tpu.dma_semaphore, #tpu.memory_space<semaphore_mem>>) src(%dma_wait3A_55 : memref<16x1000xf32, #tpu.memory_space<hbm>>) dst(%dma_wait3A_52 : memref<16x1000xf32, #tpu.memory_space<vmem>>)
      %dma_wait3A_56 = arith.constant 0 : i32
      %dma_wait3A_57 = arith.constant 0 : i32
      %dma_wait3A_58 = tpu.memref_slice %arg8[%rem3A_38, %dma_wait3A_56, %dma_wait3A_57] : memref<2x16x1000xf32, #tpu.memory_space<vmem>> -> memref<1x16x1000xf32, #tpu.memory_space<vmem>>
      %dma_wait3A_59 = tpu.memref_squeeze %dma_wait3A_58 : memref<1x16x1000xf32, #tpu.memory_space<vmem>> -> memref<16x1000xf32, #tpu.memory_space<vmem>>
      %dma_wait3A_60 = arith.constant 0 : i32
      %dma_wait3A_61 = arith.constant 0 : i32
      %dma_wait3A_62 = tpu.memref_slice %arg2[%dma_wait3A_60, %dma_wait3A_61] : memref<2048x1000xf32, #tpu.memory_space<hbm>> -> memref<16x1000xf32, #tpu.memory_space<hbm>>
      %dma_wait3A_63 = arith.constant 0 : i32
      %dma_wait3A_64 = arith.constant 0 : i32
      %dma_wait3A_65 = tpu.memref_slice %arg8[%rem3A_38, %dma_wait3A_63, %dma_wait3A_64] : memref<2x16x1000xf32, #tpu.memory_space<vmem>> -> memref<1x16x1000xf32, #tpu.memory_space<vmem>>
      %dma_wait3A_66 = tpu.memref_squeeze %dma_wait3A_65 : memref<1x16x1000xf32, #tpu.memory_space<vmem>> -> memref<16x1000xf32, #tpu.memory_space<vmem>>
      %dma_wait3A_67 = arith.constant 0 : i32
      %dma_wait3A_68 = arith.constant 0 : i32
      %dma_wait3A_69 = tpu.memref_slice %arg2[%dma_wait3A_67, %dma_wait3A_68] : memref<2048x1000xf32, #tpu.memory_space<hbm>> -> memref<16x1000xf32, #tpu.memory_space<hbm>>
      tpu.wait_dma2 semaphore(%arg11 : memref<!tpu.dma_semaphore, #tpu.memory_space<semaphore_mem>>) src(%dma_wait3A_69 : memref<16x1000xf32, #tpu.memory_space<hbm>>) dst(%dma_wait3A_66 : memref<16x1000xf32, #tpu.memory_space<vmem>>)
      %scan3A_70 = arith.constant 0 : i32
      %scan3A_71 = arith.constant 16 : i32
      %scan3A_72 = arith.addi %scan3A_70, %scan3A_71 : i32
      %scan3A_73 = arith.constant 1 : i32
      %scan3A_74 = scf.for %scan3A_98 = %scan3A_70 to %scan3A_72 step %scan3A_73 iter_args(%scan3A_99 = %scan3A_37) -> (vector<16xf32>)  : i32 {
        %scan3A_100 = arith.constant 0 : i32
        %scan3A_101 = arith.constant 60 : i32
        %scan3A_102 = arith.addi %scan3A_100, %scan3A_101 : i32
        %scan3A_103 = arith.constant 4 : i32
        %scan3A_104 = scf.for %scan3A_302 = %scan3A_100 to %scan3A_102 step %scan3A_103 iter_args(%scan3A_303 = %scan3A_99) -> (vector<16xf32>)  : i32 {
          %mul3A_304 = arith.constant 16 : i32
          %mul3A_305 = arith.muli %scan3A_302, %mul3A_304 : i32
          %get3A_306 = arith.index_cast %rem3A_38 : i32 to index
          %get3A_307 = arith.index_cast %scan3A_98 : i32 to index
          %get3A_308 = arith.index_cast %mul3A_305 : i32 to index
          %get3A_309 = tpu.vector_load %arg8[%get3A_306, %get3A_307, %get3A_308] {strides = array<i32>} : memref<2x16x1000xf32, #tpu.memory_space<vmem>>, vector<16xf32>,
          %mul3A_310 = arith.constant 16 : i32
          %mul3A_311 = arith.muli %scan3A_302, %mul3A_310 : i32
          %get3A_312 = arith.index_cast %rem3A_38 : i32 to index
          %get3A_313 = arith.index_cast %scan3A_98 : i32 to index
          %get3A_314 = arith.index_cast %mul3A_311 : i32 to index
          %get3A_315 = tpu.vector_load %arg7[%get3A_312, %get3A_313, %get3A_314] {strides = array<i32>} : memref<2x16x1000xf32, #tpu.memory_space<vmem>>, vector<16xf32>,
          %sub3A_316 = arith.subf %get3A_309, %get3A_315 : vector<16xf32>
          %exp3A_317 = math.exp %sub3A_316 : vector<16xf32>
          %add3A_318 = arith.constant 1.000000e+00 : f32
          %add3A_319 = vector.broadcast %add3A_318 : f32 to vector<16xf32>
          %add3A_320 = arith.addf %exp3A_317, %add3A_319 : vector<16xf32>
          %bitcast3A_321 = vector.bitcast %add3A_320 : vector<16xf32> to vector<16xi32>
          %shift_right_arithmetic3A_322 = arith.constant 23 : i32
          %shift_right_arithmetic3A_323 = vector.broadcast %shift_right_arithmetic3A_322 : i32 to vector<16xi32>
          %shift_right_arithmetic3A_324 = arith.shrsi %bitcast3A_321, %shift_right_arithmetic3A_323 : vector<16xi32>
          %sub3A_325 = arith.constant 127 : i32
          %sub3A_326 = vector.broadcast %sub3A_325 : i32 to vector<16xi32>
          %sub3A_327 = arith.subi %shift_right_arithmetic3A_324, %sub3A_326 : vector<16xi32>
          %and3A_328 = arith.constant 8388607 : i32
          %and3A_329 = vector.broadcast %and3A_328 : i32 to vector<16xi32>
          %and3A_330 = arith.andi %bitcast3A_321, %and3A_329 : vector<16xi32>
          %or3A_331 = arith.constant 1065353216 : i32
          %or3A_332 = vector.broadcast %or3A_331 : i32 to vector<16xi32>
          %or3A_333 = arith.ori %and3A_330, %or3A_332 : vector<16xi32>
          %bitcast3A_334 = vector.bitcast %or3A_333 : vector<16xi32> to vector<16xf32>
          %sub3A_335 = arith.constant 1.000000e+00 : f32
          %sub3A_336 = vector.broadcast %sub3A_335 : f32 to vector<16xf32>
          %sub3A_337 = arith.subf %bitcast3A_334, %sub3A_336 : vector<16xf32>
          %mul3A_338 = arith.constant -0.0174140781 : f32
          %mul3A_339 = vector.broadcast %mul3A_338 : f32 to vector<16xf32>
          %mul3A_340 = arith.mulf %mul3A_339, %sub3A_337 : vector<16xf32>
          %add3A_341 = arith.constant 0.0826912373 : f32
          %add3A_342 = vector.broadcast %add3A_341 : f32 to vector<16xf32>
          %add3A_343 = arith.addf %mul3A_340, %add3A_342 : vector<16xf32>
          %mul3A_344 = arith.mulf %add3A_343, %sub3A_337 : vector<16xf32>
          %add3A_345 = arith.constant -0.190354332 : f32
          %add3A_346 = vector.broadcast %add3A_345 : f32 to vector<16xf32>
          %add3A_347 = arith.addf %mul3A_344, %add3A_346 : vector<16xf32>
          %mul3A_348 = arith.mulf %add3A_347, %sub3A_337 : vector<16xf32>
          %add3A_349 = arith.constant 0.315747321 : f32
          %add3A_350 = vector.broadcast %add3A_349 : f32 to vector<16xf32>
          %add3A_351 = arith.addf %mul3A_348, %add3A_350 : vector<16xf32>
          %mul3A_352 = arith.mulf %add3A_351, %sub3A_337 : vector<16xf32>
          %add3A_353 = arith.constant -0.497373223 : f32
          %add3A_354 = vector.broadcast %add3A_353 : f32 to vector<16xf32>
          %add3A_355 = arith.addf %mul3A_352, %add3A_354 : vector<16xf32>
          %mul3A_356 = arith.mulf %add3A_355, %sub3A_337 : vector<16xf32>
          %add3A_357 = arith.constant 0.99984771 : f32
          %add3A_358 = vector.broadcast %add3A_357 : f32 to vector<16xf32>
          %add3A_359 = arith.addf %mul3A_356, %add3A_358 : vector<16xf32>
          %mul3A_360 = arith.mulf %add3A_359, %sub3A_337 : vector<16xf32>
          %add3A_361 = arith.constant 1.47206504E-6 : f32
          %add3A_362 = vector.broadcast %add3A_361 : f32 to vector<16xf32>
          %add3A_363 = arith.addf %mul3A_360, %add3A_362 : vector<16xf32>
          %convert_element_type3A_364 = arith.sitofp %sub3A_327 : vector<16xi32> to vector<16xf32>
          %mul3A_365 = arith.constant 0.693147182 : f32
          %mul3A_366 = vector.broadcast %mul3A_365 : f32 to vector<16xf32>
          %mul3A_367 = arith.mulf %convert_element_type3A_364, %mul3A_366 : vector<16xf32>
          %add3A_368 = arith.addf %mul3A_367, %add3A_363 : vector<16xf32>
          %add3A_369 = arith.addf %scan3A_303, %add3A_368 : vector<16xf32>
          %scan3A_370 = arith.constant 1 : i32
          %scan3A_371 = arith.addi %scan3A_302, %scan3A_370 : i32
          %mul3A_372 = arith.constant 16 : i32
          %mul3A_373 = arith.muli %scan3A_371, %mul3A_372 : i32
          %get3A_374 = arith.index_cast %rem3A_38 : i32 to index
          %get3A_375 = arith.index_cast %scan3A_98 : i32 to index
          %get3A_376 = arith.index_cast %mul3A_373 : i32 to index
          %get3A_377 = tpu.vector_load %arg8[%get3A_374, %get3A_375, %get3A_376] {strides = array<i32>} : memref<2x16x1000xf32, #tpu.memory_space<vmem>>, vector<16xf32>,
          %mul3A_378 = arith.constant 16 : i32
          %mul3A_379 = arith.muli %scan3A_371, %mul3A_378 : i32
          %get3A_380 = arith.index_cast %rem3A_38 : i32 to index
          %get3A_381 = arith.index_cast %scan3A_98 : i32 to index
          %get3A_382 = arith.index_cast %mul3A_379 : i32 to index
          %get3A_383 = tpu.vector_load %arg7[%get3A_380, %get3A_381, %get3A_382] {strides = array<i32>} : memref<2x16x1000xf32, #tpu.memory_space<vmem>>, vector<16xf32>,
          %sub3A_384 = arith.subf %get3A_377, %get3A_383 : vector<16xf32>
          %exp3A_385 = math.exp %sub3A_384 : vector<16xf32>
          %add3A_386 = arith.constant 1.000000e+00 : f32
          %add3A_387 = vector.broadcast %add3A_386 : f32 to vector<16xf32>
          %add3A_388 = arith.addf %exp3A_385, %add3A_387 : vector<16xf32>
          %bitcast3A_389 = vector.bitcast %add3A_388 : vector<16xf32> to vector<16xi32>
          %shift_right_arithmetic3A_390 = arith.constant 23 : i32
          %shift_right_arithmetic3A_391 = vector.broadcast %shift_right_arithmetic3A_390 : i32 to vector<16xi32>
          %shift_right_arithmetic3A_392 = arith.shrsi %bitcast3A_389, %shift_right_arithmetic3A_391 : vector<16xi32>
          %sub3A_393 = arith.constant 127 : i32
          %sub3A_394 = vector.broadcast %sub3A_393 : i32 to vector<16xi32>
          %sub3A_395 = arith.subi %shift_right_arithmetic3A_392, %sub3A_394 : vector<16xi32>
          %and3A_396 = arith.constant 8388607 : i32
          %and3A_397 = vector.broadcast %and3A_396 : i32 to vector<16xi32>
          %and3A_398 = arith.andi %bitcast3A_389, %and3A_397 : vector<16xi32>
          %or3A_399 = arith.constant 1065353216 : i32
          %or3A_400 = vector.broadcast %or3A_399 : i32 to vector<16xi32>
          %or3A_401 = arith.ori %and3A_398, %or3A_400 : vector<16xi32>
          %bitcast3A_402 = vector.bitcast %or3A_401 : vector<16xi32> to vector<16xf32>
          %sub3A_403 = arith.constant 1.000000e+00 : f32
          %sub3A_404 = vector.broadcast %sub3A_403 : f32 to vector<16xf32>
          %sub3A_405 = arith.subf %bitcast3A_402, %sub3A_404 : vector<16xf32>
          %mul3A_406 = arith.constant -0.0174140781 : f32
          %mul3A_407 = vector.broadcast %mul3A_406 : f32 to vector<16xf32>
          %mul3A_408 = arith.mulf %mul3A_407, %sub3A_405 : vector<16xf32>
          %add3A_409 = arith.constant 0.0826912373 : f32
          %add3A_410 = vector.broadcast %add3A_409 : f32 to vector<16xf32>
          %add3A_411 = arith.addf %mul3A_408, %add3A_410 : vector<16xf32>
          %mul3A_412 = arith.mulf %add3A_411, %sub3A_405 : vector<16xf32>
          %add3A_413 = arith.constant -0.190354332 : f32
          %add3A_414 = vector.broadcast %add3A_413 : f32 to vector<16xf32>
          %add3A_415 = arith.addf %mul3A_412, %add3A_414 : vector<16xf32>
          %mul3A_416 = arith.mulf %add3A_415, %sub3A_405 : vector<16xf32>
          %add3A_417 = arith.constant 0.315747321 : f32
          %add3A_418 = vector.broadcast %add3A_417 : f32 to vector<16xf32>
          %add3A_419 = arith.addf %mul3A_416, %add3A_418 : vector<16xf32>
          %mul3A_420 = arith.mulf %add3A_419, %sub3A_405 : vector<16xf32>
          %add3A_421 = arith.constant -0.497373223 : f32
          %add3A_422 = vector.broadcast %add3A_421 : f32 to vector<16xf32>
          %add3A_423 = arith.addf %mul3A_420, %add3A_422 : vector<16xf32>
          %mul3A_424 = arith.mulf %add3A_423, %sub3A_405 : vector<16xf32>
          %add3A_425 = arith.constant 0.99984771 : f32
          %add3A_426 = vector.broadcast %add3A_425 : f32 to vector<16xf32>
          %add3A_427 = arith.addf %mul3A_424, %add3A_426 : vector<16xf32>
          %mul3A_428 = arith.mulf %add3A_427, %sub3A_405 : vector<16xf32>
          %add3A_429 = arith.constant 1.47206504E-6 : f32
          %add3A_430 = vector.broadcast %add3A_429 : f32 to vector<16xf32>
          %add3A_431 = arith.addf %mul3A_428, %add3A_430 : vector<16xf32>
          %convert_element_type3A_432 = arith.sitofp %sub3A_395 : vector<16xi32> to vector<16xf32>
          %mul3A_433 = arith.constant 0.693147182 : f32
          %mul3A_434 = vector.broadcast %mul3A_433 : f32 to vector<16xf32>
          %mul3A_435 = arith.mulf %convert_element_type3A_432, %mul3A_434 : vector<16xf32>
          %add3A_436 = arith.addf %mul3A_435, %add3A_431 : vector<16xf32>
          %add3A_437 = arith.addf %add3A_369, %add3A_436 : vector<16xf32>
          %scan3A_438 = arith.constant 2 : i32
          %scan3A_439 = arith.addi %scan3A_302, %scan3A_438 : i32
          %mul3A_440 = arith.constant 16 : i32
          %mul3A_441 = arith.muli %scan3A_439, %mul3A_440 : i32
          %get3A_442 = arith.index_cast %rem3A_38 : i32 to index
          %get3A_443 = arith.index_cast %scan3A_98 : i32 to index
          %get3A_444 = arith.index_cast %mul3A_441 : i32 to index
          %get3A_445 = tpu.vector_load %arg8[%get3A_442, %get3A_443, %get3A_444] {strides = array<i32>} : memref<2x16x1000xf32, #tpu.memory_space<vmem>>, vector<16xf32>,
          %mul3A_446 = arith.constant 16 : i32
          %mul3A_447 = arith.muli %scan3A_439, %mul3A_446 : i32
          %get3A_448 = arith.index_cast %rem3A_38 : i32 to index
          %get3A_449 = arith.index_cast %scan3A_98 : i32 to index
          %get3A_450 = arith.index_cast %mul3A_447 : i32 to index
          %get3A_451 = tpu.vector_load %arg7[%get3A_448, %get3A_449, %get3A_450] {strides = array<i32>} : memref<2x16x1000xf32, #tpu.memory_space<vmem>>, vector<16xf32>,
          %sub3A_452 = arith.subf %get3A_445, %get3A_451 : vector<16xf32>
          %exp3A_453 = math.exp %sub3A_452 : vector<16xf32>
          %add3A_454 = arith.constant 1.000000e+00 : f32
          %add3A_455 = vector.broadcast %add3A_454 : f32 to vector<16xf32>
          %add3A_456 = arith.addf %exp3A_453, %add3A_455 : vector<16xf32>
          %bitcast3A_457 = vector.bitcast %add3A_456 : vector<16xf32> to vector<16xi32>
          %shift_right_arithmetic3A_458 = arith.constant 23 : i32
          %shift_right_arithmetic3A_459 = vector.broadcast %shift_right_arithmetic3A_458 : i32 to vector<16xi32>
          %shift_right_arithmetic3A_460 = arith.shrsi %bitcast3A_457, %shift_right_arithmetic3A_459 : vector<16xi32>
          %sub3A_461 = arith.constant 127 : i32
          %sub3A_462 = vector.broadcast %sub3A_461 : i32 to vector<16xi32>
          %sub3A_463 = arith.subi %shift_right_arithmetic3A_460, %sub3A_462 : vector<16xi32>
          %and3A_464 = arith.constant 8388607 : i32
          %and3A_465 = vector.broadcast %and3A_464 : i32 to vector<16xi32>
          %and3A_466 = arith.andi %bitcast3A_457, %and3A_465 : vector<16xi32>
          %or3A_467 = arith.constant 1065353216 : i32
          %or3A_468 = vector.broadcast %or3A_467 : i32 to vector<16xi32>
          %or3A_469 = arith.ori %and3A_466, %or3A_468 : vector<16xi32>
          %bitcast3A_470 = vector.bitcast %or3A_469 : vector<16xi32> to vector<16xf32>
          %sub3A_471 = arith.constant 1.000000e+00 : f32
          %sub3A_472 = vector.broadcast %sub3A_471 : f32 to vector<16xf32>
          %sub3A_473 = arith.subf %bitcast3A_470, %sub3A_472 : vector<16xf32>
          %mul3A_474 = arith.constant -0.0174140781 : f32
          %mul3A_475 = vector.broadcast %mul3A_474 : f32 to vector<16xf32>
          %mul3A_476 = arith.mulf %mul3A_475, %sub3A_473 : vector<16xf32>
          %add3A_477 = arith.constant 0.0826912373 : f32
          %add3A_478 = vector.broadcast %add3A_477 : f32 to vector<16xf32>
          %add3A_479 = arith.addf %mul3A_476, %add3A_478 : vector<16xf32>
          %mul3A_480 = arith.mulf %add3A_479, %sub3A_473 : vector<16xf32>
          %add3A_481 = arith.constant -0.190354332 : f32
          %add3A_482 = vector.broadcast %add3A_481 : f32 to vector<16xf32>
          %add3A_483 = arith.addf %mul3A_480, %add3A_482 : vector<16xf32>
          %mul3A_484 = arith.mulf %add3A_483, %sub3A_473 : vector<16xf32>
          %add3A_485 = arith.constant 0.315747321 : f32
          %add3A_486 = vector.broadcast %add3A_485 : f32 to vector<16xf32>
          %add3A_487 = arith.addf %mul3A_484, %add3A_486 : vector<16xf32>
          %mul3A_488 = arith.mulf %add3A_487, %sub3A_473 : vector<16xf32>
          %add3A_489 = arith.constant -0.497373223 : f32
          %add3A_490 = vector.broadcast %add3A_489 : f32 to vector<16xf32>
          %add3A_491 = arith.addf %mul3A_488, %add3A_490 : vector<16xf32>
          %mul3A_492 = arith.mulf %add3A_491, %sub3A_473 : vector<16xf32>
          %add3A_493 = arith.constant 0.99984771 : f32
          %add3A_494 = vector.broadcast %add3A_493 : f32 to vector<16xf32>
          %add3A_495 = arith.addf %mul3A_492, %add3A_494 : vector<16xf32>
          %mul3A_496 = arith.mulf %add3A_495, %sub3A_473 : vector<16xf32>
          %add3A_497 = arith.constant 1.47206504E-6 : f32
          %add3A_498 = vector.broadcast %add3A_497 : f32 to vector<16xf32>
          %add3A_499 = arith.addf %mul3A_496, %add3A_498 : vector<16xf32>
          %convert_element_type3A_500 = arith.sitofp %sub3A_463 : vector<16xi32> to vector<16xf32>
          %mul3A_501 = arith.constant 0.693147182 : f32
          %mul3A_502 = vector.broadcast %mul3A_501 : f32 to vector<16xf32>
          %mul3A_503 = arith.mulf %convert_element_type3A_500, %mul3A_502 : vector<16xf32>
          %add3A_504 = arith.addf %mul3A_503, %add3A_499 : vector<16xf32>
          %add3A_505 = arith.addf %add3A_437, %add3A_504 : vector<16xf32>
          %scan3A_506 = arith.constant 3 : i32
          %scan3A_507 = arith.addi %scan3A_302, %scan3A_506 : i32
          %mul3A_508 = arith.constant 16 : i32
          %mul3A_509 = arith.muli %scan3A_507, %mul3A_508 : i32
          %get3A_510 = arith.index_cast %rem3A_38 : i32 to index
          %get3A_511 = arith.index_cast %scan3A_98 : i32 to index
          %get3A_512 = arith.index_cast %mul3A_509 : i32 to index
          %get3A_513 = tpu.vector_load %arg8[%get3A_510, %get3A_511, %get3A_512] {strides = array<i32>} : memref<2x16x1000xf32, #tpu.memory_space<vmem>>, vector<16xf32>,
          %mul3A_514 = arith.constant 16 : i32
          %mul3A_515 = arith.muli %scan3A_507, %mul3A_514 : i32
          %get3A_516 = arith.index_cast %rem3A_38 : i32 to index
          %get3A_517 = arith.index_cast %scan3A_98 : i32 to index
          %get3A_518 = arith.index_cast %mul3A_515 : i32 to index
          %get3A_519 = tpu.vector_load %arg7[%get3A_516, %get3A_517, %get3A_518] {strides = array<i32>} : memref<2x16x1000xf32, #tpu.memory_space<vmem>>, vector<16xf32>,
          %sub3A_520 = arith.subf %get3A_513, %get3A_519 : vector<16xf32>
          %exp3A_521 = math.exp %sub3A_520 : vector<16xf32>
          %add3A_522 = arith.constant 1.000000e+00 : f32
          %add3A_523 = vector.broadcast %add3A_522 : f32 to vector<16xf32>
          %add3A_524 = arith.addf %exp3A_521, %add3A_523 : vector<16xf32>
          %bitcast3A_525 = vector.bitcast %add3A_524 : vector<16xf32> to vector<16xi32>
          %shift_right_arithmetic3A_526 = arith.constant 23 : i32
          %shift_right_arithmetic3A_527 = vector.broadcast %shift_right_arithmetic3A_526 : i32 to vector<16xi32>
          %shift_right_arithmetic3A_528 = arith.shrsi %bitcast3A_525, %shift_right_arithmetic3A_527 : vector<16xi32>
          %sub3A_529 = arith.constant 127 : i32
          %sub3A_530 = vector.broadcast %sub3A_529 : i32 to vector<16xi32>
          %sub3A_531 = arith.subi %shift_right_arithmetic3A_528, %sub3A_530 : vector<16xi32>
          %and3A_532 = arith.constant 8388607 : i32
          %and3A_533 = vector.broadcast %and3A_532 : i32 to vector<16xi32>
          %and3A_534 = arith.andi %bitcast3A_525, %and3A_533 : vector<16xi32>
          %or3A_535 = arith.constant 1065353216 : i32
          %or3A_536 = vector.broadcast %or3A_535 : i32 to vector<16xi32>
          %or3A_537 = arith.ori %and3A_534, %or3A_536 : vector<16xi32>
          %bitcast3A_538 = vector.bitcast %or3A_537 : vector<16xi32> to vector<16xf32>
          %sub3A_539 = arith.constant 1.000000e+00 : f32
          %sub3A_540 = vector.broadcast %sub3A_539 : f32 to vector<16xf32>
          %sub3A_541 = arith.subf %bitcast3A_538, %sub3A_540 : vector<16xf32>
          %mul3A_542 = arith.constant -0.0174140781 : f32
          %mul3A_543 = vector.broadcast %mul3A_542 : f32 to vector<16xf32>
          %mul3A_544 = arith.mulf %mul3A_543, %sub3A_541 : vector<16xf32>
          %add3A_545 = arith.constant 0.0826912373 : f32
          %add3A_546 = vector.broadcast %add3A_545 : f32 to vector<16xf32>
          %add3A_547 = arith.addf %mul3A_544, %add3A_546 : vector<16xf32>
          %mul3A_548 = arith.mulf %add3A_547, %sub3A_541 : vector<16xf32>
          %add3A_549 = arith.constant -0.190354332 : f32
          %add3A_550 = vector.broadcast %add3A_549 : f32 to vector<16xf32>
          %add3A_551 = arith.addf %mul3A_548, %add3A_550 : vector<16xf32>
          %mul3A_552 = arith.mulf %add3A_551, %sub3A_541 : vector<16xf32>
          %add3A_553 = arith.constant 0.315747321 : f32
          %add3A_554 = vector.broadcast %add3A_553 : f32 to vector<16xf32>
          %add3A_555 = arith.addf %mul3A_552, %add3A_554 : vector<16xf32>
          %mul3A_556 = arith.mulf %add3A_555, %sub3A_541 : vector<16xf32>
          %add3A_557 = arith.constant -0.497373223 : f32
          %add3A_558 = vector.broadcast %add3A_557 : f32 to vector<16xf32>
          %add3A_559 = arith.addf %mul3A_556, %add3A_558 : vector<16xf32>
          %mul3A_560 = arith.mulf %add3A_559, %sub3A_541 : vector<16xf32>
          %add3A_561 = arith.constant 0.99984771 : f32
          %add3A_562 = vector.broadcast %add3A_561 : f32 to vector<16xf32>
          %add3A_563 = arith.addf %mul3A_560, %add3A_562 : vector<16xf32>
          %mul3A_564 = arith.mulf %add3A_563, %sub3A_541 : vector<16xf32>
          %add3A_565 = arith.constant 1.47206504E-6 : f32
          %add3A_566 = vector.broadcast %add3A_565 : f32 to vector<16xf32>
          %add3A_567 = arith.addf %mul3A_564, %add3A_566 : vector<16xf32>
          %convert_element_type3A_568 = arith.sitofp %sub3A_531 : vector<16xi32> to vector<16xf32>
          %mul3A_569 = arith.constant 0.693147182 : f32
          %mul3A_570 = vector.broadcast %mul3A_569 : f32 to vector<16xf32>
          %mul3A_571 = arith.mulf %convert_element_type3A_568, %mul3A_570 : vector<16xf32>
          %add3A_572 = arith.addf %mul3A_571, %add3A_567 : vector<16xf32>
          %add3A_573 = arith.addf %add3A_505, %add3A_572 : vector<16xf32>
          scf.yield %add3A_573 : vector<16xf32>
        }
        %scan3A_105 = arith.constant 60 : i32
        %scan3A_106 = arith.addi %scan3A_100, %scan3A_105 : i32
        %mul3A_107 = arith.constant 16 : i32
        %mul3A_108 = arith.muli %scan3A_106, %mul3A_107 : i32
        %get3A_109 = arith.index_cast %rem3A_38 : i32 to index
        %get3A_110 = arith.index_cast %scan3A_98 : i32 to index
        %get3A_111 = arith.index_cast %mul3A_108 : i32 to index
        %get3A_112 = tpu.vector_load %arg8[%get3A_109, %get3A_110, %get3A_111] {strides = array<i32>} : memref<2x16x1000xf32, #tpu.memory_space<vmem>>, vector<16xf32>,
        %mul3A_113 = arith.constant 16 : i32
        %mul3A_114 = arith.muli %scan3A_106, %mul3A_113 : i32
        %get3A_115 = arith.index_cast %rem3A_38 : i32 to index
        %get3A_116 = arith.index_cast %scan3A_98 : i32 to index
        %get3A_117 = arith.index_cast %mul3A_114 : i32 to index
        %get3A_118 = tpu.vector_load %arg7[%get3A_115, %get3A_116, %get3A_117] {strides = array<i32>} : memref<2x16x1000xf32, #tpu.memory_space<vmem>>, vector<16xf32>,
        %sub3A_119 = arith.subf %get3A_112, %get3A_118 : vector<16xf32>
        %exp3A = math.exp %sub3A_119 : vector<16xf32>
        %add3A_120 = arith.constant 1.000000e+00 : f32
        %add3A_121 = vector.broadcast %add3A_120 : f32 to vector<16xf32>
        %add3A_122 = arith.addf %exp3A, %add3A_121 : vector<16xf32>
        %bitcast3A = vector.bitcast %add3A_122 : vector<16xf32> to vector<16xi32>
        %shift_right_arithmetic3A = arith.constant 23 : i32
        %shift_right_arithmetic3A_123 = vector.broadcast %shift_right_arithmetic3A : i32 to vector<16xi32>
        %shift_right_arithmetic3A_124 = arith.shrsi %bitcast3A, %shift_right_arithmetic3A_123 : vector<16xi32>
        %sub3A_125 = arith.constant 127 : i32
        %sub3A_126 = vector.broadcast %sub3A_125 : i32 to vector<16xi32>
        %sub3A_127 = arith.subi %shift_right_arithmetic3A_124, %sub3A_126 : vector<16xi32>
        %and3A = arith.constant 8388607 : i32
        %and3A_128 = vector.broadcast %and3A : i32 to vector<16xi32>
        %and3A_129 = arith.andi %bitcast3A, %and3A_128 : vector<16xi32>
        %or3A = arith.constant 1065353216 : i32
        %or3A_130 = vector.broadcast %or3A : i32 to vector<16xi32>
        %or3A_131 = arith.ori %and3A_129, %or3A_130 : vector<16xi32>
        %bitcast3A_132 = vector.bitcast %or3A_131 : vector<16xi32> to vector<16xf32>
        %sub3A_133 = arith.constant 1.000000e+00 : f32
        %sub3A_134 = vector.broadcast %sub3A_133 : f32 to vector<16xf32>
        %sub3A_135 = arith.subf %bitcast3A_132, %sub3A_134 : vector<16xf32>
        %mul3A_136 = arith.constant -0.0174140781 : f32
        %mul3A_137 = vector.broadcast %mul3A_136 : f32 to vector<16xf32>
        %mul3A_138 = arith.mulf %mul3A_137, %sub3A_135 : vector<16xf32>
        %add3A_139 = arith.constant 0.0826912373 : f32
        %add3A_140 = vector.broadcast %add3A_139 : f32 to vector<16xf32>
        %add3A_141 = arith.addf %mul3A_138, %add3A_140 : vector<16xf32>
        %mul3A_142 = arith.mulf %add3A_141, %sub3A_135 : vector<16xf32>
        %add3A_143 = arith.constant -0.190354332 : f32
        %add3A_144 = vector.broadcast %add3A_143 : f32 to vector<16xf32>
        %add3A_145 = arith.addf %mul3A_142, %add3A_144 : vector<16xf32>
        %mul3A_146 = arith.mulf %add3A_145, %sub3A_135 : vector<16xf32>
        %add3A_147 = arith.constant 0.315747321 : f32
        %add3A_148 = vector.broadcast %add3A_147 : f32 to vector<16xf32>
        %add3A_149 = arith.addf %mul3A_146, %add3A_148 : vector<16xf32>
        %mul3A_150 = arith.mulf %add3A_149, %sub3A_135 : vector<16xf32>
        %add3A_151 = arith.constant -0.497373223 : f32
        %add3A_152 = vector.broadcast %add3A_151 : f32 to vector<16xf32>
        %add3A_153 = arith.addf %mul3A_150, %add3A_152 : vector<16xf32>
        %mul3A_154 = arith.mulf %add3A_153, %sub3A_135 : vector<16xf32>
        %add3A_155 = arith.constant 0.99984771 : f32
        %add3A_156 = vector.broadcast %add3A_155 : f32 to vector<16xf32>
        %add3A_157 = arith.addf %mul3A_154, %add3A_156 : vector<16xf32>
        %mul3A_158 = arith.mulf %add3A_157, %sub3A_135 : vector<16xf32>
        %add3A_159 = arith.constant 1.47206504E-6 : f32
        %add3A_160 = vector.broadcast %add3A_159 : f32 to vector<16xf32>
        %add3A_161 = arith.addf %mul3A_158, %add3A_160 : vector<16xf32>
        %convert_element_type3A_162 = arith.sitofp %sub3A_127 : vector<16xi32> to vector<16xf32>
        %mul3A_163 = arith.constant 0.693147182 : f32
        %mul3A_164 = vector.broadcast %mul3A_163 : f32 to vector<16xf32>
        %mul3A_165 = arith.mulf %convert_element_type3A_162, %mul3A_164 : vector<16xf32>
        %add3A_166 = arith.addf %mul3A_165, %add3A_161 : vector<16xf32>
        %add3A_167 = arith.addf %scan3A_104, %add3A_166 : vector<16xf32>
        %scan3A_168 = arith.constant 61 : i32
        %scan3A_169 = arith.addi %scan3A_100, %scan3A_168 : i32
        %mul3A_170 = arith.constant 16 : i32
        %mul3A_171 = arith.muli %scan3A_169, %mul3A_170 : i32
        %get3A_172 = arith.index_cast %rem3A_38 : i32 to index
        %get3A_173 = arith.index_cast %scan3A_98 : i32 to index
        %get3A_174 = arith.index_cast %mul3A_171 : i32 to index
        %get3A_175 = tpu.vector_load %arg8[%get3A_172, %get3A_173, %get3A_174] {strides = array<i32>} : memref<2x16x1000xf32, #tpu.memory_space<vmem>>, vector<16xf32>,
        %mul3A_176 = arith.constant 16 : i32
        %mul3A_177 = arith.muli %scan3A_169, %mul3A_176 : i32
        %get3A_178 = arith.index_cast %rem3A_38 : i32 to index
        %get3A_179 = arith.index_cast %scan3A_98 : i32 to index
        %get3A_180 = arith.index_cast %mul3A_177 : i32 to index
        %get3A_181 = tpu.vector_load %arg7[%get3A_178, %get3A_179, %get3A_180] {strides = array<i32>} : memref<2x16x1000xf32, #tpu.memory_space<vmem>>, vector<16xf32>,
        %sub3A_182 = arith.subf %get3A_175, %get3A_181 : vector<16xf32>
        %exp3A_183 = math.exp %sub3A_182 : vector<16xf32>
        %add3A_184 = arith.constant 1.000000e+00 : f32
        %add3A_185 = vector.broadcast %add3A_184 : f32 to vector<16xf32>
        %add3A_186 = arith.addf %exp3A_183, %add3A_185 : vector<16xf32>
        %bitcast3A_187 = vector.bitcast %add3A_186 : vector<16xf32> to vector<16xi32>
        %shift_right_arithmetic3A_188 = arith.constant 23 : i32
        %shift_right_arithmetic3A_189 = vector.broadcast %shift_right_arithmetic3A_188 : i32 to vector<16xi32>
        %shift_right_arithmetic3A_190 = arith.shrsi %bitcast3A_187, %shift_right_arithmetic3A_189 : vector<16xi32>
        %sub3A_191 = arith.constant 127 : i32
        %sub3A_192 = vector.broadcast %sub3A_191 : i32 to vector<16xi32>
        %sub3A_193 = arith.subi %shift_right_arithmetic3A_190, %sub3A_192 : vector<16xi32>
        %and3A_194 = arith.constant 8388607 : i32
        %and3A_195 = vector.broadcast %and3A_194 : i32 to vector<16xi32>
        %and3A_196 = arith.andi %bitcast3A_187, %and3A_195 : vector<16xi32>
        %or3A_197 = arith.constant 1065353216 : i32
        %or3A_198 = vector.broadcast %or3A_197 : i32 to vector<16xi32>
        %or3A_199 = arith.ori %and3A_196, %or3A_198 : vector<16xi32>
        %bitcast3A_200 = vector.bitcast %or3A_199 : vector<16xi32> to vector<16xf32>
        %sub3A_201 = arith.constant 1.000000e+00 : f32
        %sub3A_202 = vector.broadcast %sub3A_201 : f32 to vector<16xf32>
        %sub3A_203 = arith.subf %bitcast3A_200, %sub3A_202 : vector<16xf32>
        %mul3A_204 = arith.constant -0.0174140781 : f32
        %mul3A_205 = vector.broadcast %mul3A_204 : f32 to vector<16xf32>
        %mul3A_206 = arith.mulf %mul3A_205, %sub3A_203 : vector<16xf32>
        %add3A_207 = arith.constant 0.0826912373 : f32
        %add3A_208 = vector.broadcast %add3A_207 : f32 to vector<16xf32>
        %add3A_209 = arith.addf %mul3A_206, %add3A_208 : vector<16xf32>
        %mul3A_210 = arith.mulf %add3A_209, %sub3A_203 : vector<16xf32>
        %add3A_211 = arith.constant -0.190354332 : f32
        %add3A_212 = vector.broadcast %add3A_211 : f32 to vector<16xf32>
        %add3A_213 = arith.addf %mul3A_210, %add3A_212 : vector<16xf32>
        %mul3A_214 = arith.mulf %add3A_213, %sub3A_203 : vector<16xf32>
        %add3A_215 = arith.constant 0.315747321 : f32
        %add3A_216 = vector.broadcast %add3A_215 : f32 to vector<16xf32>
        %add3A_217 = arith.addf %mul3A_214, %add3A_216 : vector<16xf32>
        %mul3A_218 = arith.mulf %add3A_217, %sub3A_203 : vector<16xf32>
        %add3A_219 = arith.constant -0.497373223 : f32
        %add3A_220 = vector.broadcast %add3A_219 : f32 to vector<16xf32>
        %add3A_221 = arith.addf %mul3A_218, %add3A_220 : vector<16xf32>
        %mul3A_222 = arith.mulf %add3A_221, %sub3A_203 : vector<16xf32>
        %add3A_223 = arith.constant 0.99984771 : f32
        %add3A_224 = vector.broadcast %add3A_223 : f32 to vector<16xf32>
        %add3A_225 = arith.addf %mul3A_222, %add3A_224 : vector<16xf32>
        %mul3A_226 = arith.mulf %add3A_225, %sub3A_203 : vector<16xf32>
        %add3A_227 = arith.constant 1.47206504E-6 : f32
        %add3A_228 = vector.broadcast %add3A_227 : f32 to vector<16xf32>
        %add3A_229 = arith.addf %mul3A_226, %add3A_228 : vector<16xf32>
        %convert_element_type3A_230 = arith.sitofp %sub3A_193 : vector<16xi32> to vector<16xf32>
        %mul3A_231 = arith.constant 0.693147182 : f32
        %mul3A_232 = vector.broadcast %mul3A_231 : f32 to vector<16xf32>
        %mul3A_233 = arith.mulf %convert_element_type3A_230, %mul3A_232 : vector<16xf32>
        %add3A_234 = arith.addf %mul3A_233, %add3A_229 : vector<16xf32>
        %add3A_235 = arith.addf %add3A_167, %add3A_234 : vector<16xf32>
        %scan3A_236 = arith.constant 62 : i32
        %get3A_237 = arith.index_cast %rem3A_38 : i32 to index
        %get3A_238 = arith.index_cast %scan3A_98 : i32 to index
        %get3A_239 = arith.constant 984 : index
        %get3A_240 = tpu.vector_load %arg8[%get3A_237, %get3A_238, %get3A_239] {strides = array<i32>} : memref<2x16x1000xf32, #tpu.memory_space<vmem>>, vector<16xf32>,
        %get3A_241 = arith.index_cast %rem3A_38 : i32 to index
        %get3A_242 = arith.index_cast %scan3A_98 : i32 to index
        %get3A_243 = arith.constant 984 : index
        %get3A_244 = tpu.vector_load %arg7[%get3A_241, %get3A_242, %get3A_243] {strides = array<i32>} : memref<2x16x1000xf32, #tpu.memory_space<vmem>>, vector<16xf32>,
        %sub3A_245 = arith.subf %get3A_240, %get3A_244 : vector<16xf32>
        %exp3A_246 = math.exp %sub3A_245 : vector<16xf32>
        %add3A_247 = arith.constant 1.000000e+00 : f32
        %add3A_248 = vector.broadcast %add3A_247 : f32 to vector<16xf32>
        %add3A_249 = arith.addf %exp3A_246, %add3A_248 : vector<16xf32>
        %bitcast3A_250 = vector.bitcast %add3A_249 : vector<16xf32> to vector<16xi32>
        %shift_right_arithmetic3A_251 = arith.constant 23 : i32
        %shift_right_arithmetic3A_252 = vector.broadcast %shift_right_arithmetic3A_251 : i32 to vector<16xi32>
        %shift_right_arithmetic3A_253 = arith.shrsi %bitcast3A_250, %shift_right_arithmetic3A_252 : vector<16xi32>
        %sub3A_254 = arith.constant 127 : i32
        %sub3A_255 = vector.broadcast %sub3A_254 : i32 to vector<16xi32>
        %sub3A_256 = arith.subi %shift_right_arithmetic3A_253, %sub3A_255 : vector<16xi32>
        %and3A_257 = arith.constant 8388607 : i32
        %and3A_258 = vector.broadcast %and3A_257 : i32 to vector<16xi32>
        %and3A_259 = arith.andi %bitcast3A_250, %and3A_258 : vector<16xi32>
        %or3A_260 = arith.constant 1065353216 : i32
        %or3A_261 = vector.broadcast %or3A_260 : i32 to vector<16xi32>
        %or3A_262 = arith.ori %and3A_259, %or3A_261 : vector<16xi32>
        %bitcast3A_263 = vector.bitcast %or3A_262 : vector<16xi32> to vector<16xf32>
        %sub3A_264 = arith.constant 1.000000e+00 : f32
        %sub3A_265 = vector.broadcast %sub3A_264 : f32 to vector<16xf32>
        %sub3A_266 = arith.subf %bitcast3A_263, %sub3A_265 : vector<16xf32>
        %mul3A_267 = arith.constant -0.0174140781 : f32
        %mul3A_268 = vector.broadcast %mul3A_267 : f32 to vector<16xf32>
        %mul3A_269 = arith.mulf %mul3A_268, %sub3A_266 : vector<16xf32>
        %add3A_270 = arith.constant 0.0826912373 : f32
        %add3A_271 = vector.broadcast %add3A_270 : f32 to vector<16xf32>
        %add3A_272 = arith.addf %mul3A_269, %add3A_271 : vector<16xf32>
        %mul3A_273 = arith.mulf %add3A_272, %sub3A_266 : vector<16xf32>
        %add3A_274 = arith.constant -0.190354332 : f32
        %add3A_275 = vector.broadcast %add3A_274 : f32 to vector<16xf32>
        %add3A_276 = arith.addf %mul3A_273, %add3A_275 : vector<16xf32>
        %mul3A_277 = arith.mulf %add3A_276, %sub3A_266 : vector<16xf32>
        %add3A_278 = arith.constant 0.315747321 : f32
        %add3A_279 = vector.broadcast %add3A_278 : f32 to vector<16xf32>
        %add3A_280 = arith.addf %mul3A_277, %add3A_279 : vector<16xf32>
        %mul3A_281 = arith.mulf %add3A_280, %sub3A_266 : vector<16xf32>
        %add3A_282 = arith.constant -0.497373223 : f32
        %add3A_283 = vector.broadcast %add3A_282 : f32 to vector<16xf32>
        %add3A_284 = arith.addf %mul3A_281, %add3A_283 : vector<16xf32>
        %mul3A_285 = arith.mulf %add3A_284, %sub3A_266 : vector<16xf32>
        %add3A_286 = arith.constant 0.99984771 : f32
        %add3A_287 = vector.broadcast %add3A_286 : f32 to vector<16xf32>
        %add3A_288 = arith.addf %mul3A_285, %add3A_287 : vector<16xf32>
        %mul3A_289 = arith.mulf %add3A_288, %sub3A_266 : vector<16xf32>
        %add3A_290 = arith.constant 1.47206504E-6 : f32
        %add3A_291 = vector.broadcast %add3A_290 : f32 to vector<16xf32>
        %add3A_292 = arith.addf %mul3A_289, %add3A_291 : vector<16xf32>
        %convert_element_type3A_293 = arith.sitofp %sub3A_256 : vector<16xi32> to vector<16xf32>
        %mul3A_294 = arith.constant 0.693147182 : f32
        %mul3A_295 = vector.broadcast %mul3A_294 : f32 to vector<16xf32>
        %mul3A_296 = arith.mulf %convert_element_type3A_293, %mul3A_295 : vector<16xf32>
        %add3A_297 = arith.addf %mul3A_296, %add3A_292 : vector<16xf32>
        %ge3A = arith.constant 8 : i32
        %ge3A_298 = vector.broadcast %ge3A : i32 to vector<16xi32>
        %ge3A_299 = arith.cmpi sge, %iota3A, %ge3A_298 : vector<16xi32>
        %jit3A = arith.constant 0.000000e+00 : f32
        %broadcast_in_dim3A_300 = vector.broadcast %jit3A : f32 to vector<16xf32>
        %select_n3A = arith.select %ge3A_299, %add3A_297, %broadcast_in_dim3A_300 : vector<16xi1>, vector<16xf32>
        %add3A_301 = arith.addf %add3A_235, %select_n3A : vector<16xf32>
        scf.yield %add3A_301 : vector<16xf32>
      }
      %scan3A_75 = arith.constant 16 : i32
      %scan3A_76 = arith.constant 0 : i32
      %mul3A_77 = arith.constant 16 : i32
      %mul3A_78 = arith.muli %scan3A_36, %mul3A_77 : i32
      %mul3A_79 = arith.constant 16 : i32
      %mul3A_80 = arith.muli %scan3A_76, %mul3A_79 : i32
      %add3A_81 = arith.addi %mul3A_78, %mul3A_80 : i32
      %get3A = arith.index_cast %add3A_81 : i32 to index
      %get3A_82 = tpu.vector_load %arg6[%get3A] {strides = array<i32>} : memref<64xi32, #tpu.memory_space<vmem>>, vector<16xi32>,
      %mul3A_83 = arith.constant 16 : i32
      %mul3A_84 = arith.muli %scan3A_76, %mul3A_83 : i32
      %add3A_85 = vector.broadcast %mul3A_84 : i32 to vector<16xi32>
      %add3A_86 = arith.addi %iota3A, %add3A_85 : vector<16xi32>
      %gather3A = arith.constant 0 : i32
      %gather3A_87 = arith.constant 0 : i32
      %gather3A_88 = tpu.memref_slice %arg8[%rem3A_38, %gather3A, %gather3A_87] : memref<2x16x1000xf32, #tpu.memory_space<vmem>> -> memref<1x16x1000xf32, #tpu.memory_space<vmem>>
      %gather3A_89 = tpu.memref_squeeze %gather3A_88 : memref<1x16x1000xf32, #tpu.memory_space<vmem>> -> memref<16x1000xf32, #tpu.memory_space<vmem>>
      %gather3A_90 = tpu.vector_load_idx %gather3A_89[%add3A_86, %get3A_82] : memref<16x1000xf32, #tpu.memory_space<vmem>>[vector<16xi32>, vector<16xi32>], vector<16xf32>,
      %gather3A_91 = arith.constant 0 : i32
      %gather3A_92 = arith.constant 0 : i32
      %gather3A_93 = tpu.memref_slice %arg7[%rem3A_38, %gather3A_91, %gather3A_92] : memref<2x16x1000xf32, #tpu.memory_space<vmem>> -> memref<1x16x1000xf32, #tpu.memory_space<vmem>>
      %gather3A_94 = tpu.memref_squeeze %gather3A_93 : memref<1x16x1000xf32, #tpu.memory_space<vmem>> -> memref<16x1000xf32, #tpu.memory_space<vmem>>
      %gather3A_95 = tpu.vector_load_idx %gather3A_94[%add3A_86, %get3A_82] : memref<16x1000xf32, #tpu.memory_space<vmem>>[vector<16xi32>, vector<16xi32>], vector<16xf32>,
      %sub3A = arith.subf %gather3A_90, %gather3A_95 : vector<16xf32>
      %sub3A_96 = arith.subf %scan3A_74, %sub3A : vector<16xf32>
      %scan3A_97 = arith.constant 1 : i32
      scf.yield %sub3A_96 : vector<16xf32>
    }
    %scan3A_32 = arith.constant 4 : i32
    %swap3A = arith.constant 0 : index
    %swap3A_33 = tpu.vector_load %arg9[%swap3A] {strides = array<i32>} : memref<16xf32, #tpu.memory_space<vmem>>, vector<16xf32>,
    tpu.vector_store %arg9[%swap3A], %scan3A_31 {strides = array<i32>} : memref<16xf32, #tpu.memory_space<vmem>>, vector<16xf32>,
    %mul3A_34 = arith.constant 16 : i32
    %mul3A_35 = arith.muli %add3A, %mul3A_34 : i32
    "tpu.region"() ({
      %run_scoped3A = tpu.sem_alloc : memref<!tpu.dma_semaphore, #tpu.memory_space<semaphore_mem>>
      %dma_start3A_36 = tpu.memref_slice %arg5[%mul3A_35] : memref<512xf32, #tpu.memory_space<hbm>> -> memref<16xf32, #tpu.memory_space<hbm>>
      %dma_start3A_37 = tpu.memref_slice %arg5[%mul3A_35] : memref<512xf32, #tpu.memory_space<hbm>> -> memref<16xf32, #tpu.memory_space<hbm>>
      tpu.enqueue_dma source(%arg9 : memref<16xf32, #tpu.memory_space<vmem>>) target(%dma_start3A_37 : memref<16xf32, #tpu.memory_space<hbm>>) target_semaphore(%run_scoped3A : memref<!tpu.dma_semaphore, #tpu.memory_space<semaphore_mem>>)
      %dma_wait3A = tpu.memref_slice %arg5[%mul3A_35] : memref<512xf32, #tpu.memory_space<hbm>> -> memref<16xf32, #tpu.memory_space<hbm>>
      %dma_wait3A_38 = tpu.memref_slice %arg5[%mul3A_35] : memref<512xf32, #tpu.memory_space<hbm>> -> memref<16xf32, #tpu.memory_space<hbm>>
      tpu.wait_dma2 semaphore(%run_scoped3A : memref<!tpu.dma_semaphore, #tpu.memory_space<semaphore_mem>>) src(%arg9 : memref<16xf32, #tpu.memory_space<vmem>>) dst(%dma_wait3A_38 : memref<16xf32, #tpu.memory_space<hbm>>)
      tpu.yield
    }) : () -> ()
    return
  }
}

module attributes {stable_mosaic.version = 14 : i64} {
  func.func @_tc_body(%arg0: i32, %arg1: memref<512x1xi32, #tpu.memory_space<vmem>>, %arg2: memref<512x1000xf32, #tpu.memory_space<vmem>>, %arg3: memref<1000x1000xbf16, #tpu.memory_space<vmem>>, %arg4: memref<1x1xf32, #tpu.memory_space<vmem>>) attributes {dimension_semantics = [#tpu.dimension_semantics<arbitrary>], iteration_bounds = array<i64: 28>, scalar_prefetch = 0 : i64, scratch_operands = 0 : i64, tpu.core_type = #tpu.core_type<tc>, window_params = [{transform_indices = @transform_0, window_bounds = array<i64: 512, 1>}, {transform_indices = @transform_1, window_bounds = array<i64: 512, 1000>}, {pipeline_mode = #tpu.pipeline_mode<synchronous>, transform_indices = @transform_2, window_bounds = array<i64: 1000, 1000>}, {pipeline_mode = #tpu.pipeline_mode<synchronous>, transform_indices = @transform_3, window_bounds = array<i64: 1, 1>}]} {
    %get3A = arith.constant 0 : index
    %get3A_0 = arith.constant 0 : index
    %get3A_1 = vector.load %arg1[%get3A, %get3A_0] : memref<512x1xi32, #tpu.memory_space<vmem>>, vector<512x1xi32>
    %iota3A = tpu.iota {dimensions = array<i32: 1>} : vector<512x1000xi32>
    %eq3A = vector.broadcast %get3A_1 : vector<512x1xi32> to vector<512x1000xi32>
    %eq3A_2 = arith.cmpi eq, %iota3A, %eq3A : vector<512x1000xi32>
    %jit3A = arith.constant 1.000000e+00 : f32
    %jit3A_3 = arith.constant 0.000000e+00 : f32
    %broadcast_in_dim3A = vector.broadcast %jit3A : f32 to vector<512x1000xf32>
    %broadcast_in_dim3A_4 = vector.broadcast %jit3A_3 : f32 to vector<512x1000xf32>
    %select_n3A = arith.select %eq3A_2, %broadcast_in_dim3A, %broadcast_in_dim3A_4 : vector<512x1000xi1>, vector<512x1000xf32>
    %convert_element_type3A = arith.truncf %select_n3A : vector<512x1000xf32> to vector<512x1000xbf16>
    %get3A_5 = arith.constant 0 : index
    %get3A_6 = arith.constant 0 : index
    %get3A_7 = vector.load %arg3[%get3A_5, %get3A_6] : memref<1000x1000xbf16, #tpu.memory_space<vmem>>, vector<1000x1000xbf16>
    %dot_general3A = arith.constant dense<0.000000e+00> : vector<512x1000xf32>
    %dot_general3A_8 = tpu.matmul %convert_element_type3A, %get3A_7, %dot_general3A {dimension_numbers = #tpu.dot_dimension_numbers<[1], [0], [0], [1], [0, 0, 1, 1], [], []>, transpose_lhs_hint = false} : vector<512x1000xbf16>, vector<1000x1000xbf16>, vector<512x1000xf32> -> vector<512x1000xf32>
    %jit3A_9 = arith.constant -1.000000e+00 : f32
    %jit3A_10 = arith.constant 1.000000e+00 : f32
    %broadcast_in_dim3A_11 = vector.broadcast %jit3A_9 : f32 to vector<512x1000xf32>
    %broadcast_in_dim3A_12 = vector.broadcast %jit3A_10 : f32 to vector<512x1000xf32>
    %select_n3A_13 = arith.select %eq3A_2, %broadcast_in_dim3A_11, %broadcast_in_dim3A_12 : vector<512x1000xi1>, vector<512x1000xf32>
    %get3A_14 = arith.constant 0 : index
    %get3A_15 = arith.constant 0 : index
    %get3A_16 = vector.load %arg2[%get3A_14, %get3A_15] : memref<512x1000xf32, #tpu.memory_space<vmem>>, vector<512x1000xf32>
    %sub3A = arith.subf %get3A_16, %dot_general3A_8 : vector<512x1000xf32>
    %mul3A = arith.mulf %select_n3A_13, %sub3A : vector<512x1000xf32>
    %exp3A = math.exp %mul3A : vector<512x1000xf32>
    %log1p3A = math.log1p %exp3A : vector<512x1000xf32>
    %reduce_sum3A = vector.shape_cast %log1p3A : vector<512x1000xf32> to vector<1x512x1000xf32>
    %reduce_sum3A_17 = arith.constant dense<0.000000e+00> : vector<1xf32>
    %reduce_sum3A_18 = vector.multi_reduction <add>, %reduce_sum3A, %reduce_sum3A_17 [1, 2] : vector<1x512x1000xf32> to vector<1xf32>
    %reduce_sum3A_19 = vector.shape_cast %reduce_sum3A_18 : vector<1xf32> to vector<1x1x1xf32>
    %reduce_sum3A_20 = vector.extract %reduce_sum3A_19[0, 0, 0] : f32 from vector<1x1x1xf32>
    %broadcast_in_dim3A_21 = vector.broadcast %reduce_sum3A_20 : f32 to vector<1x1xf32>
    %eq3A_22 = arith.constant 0 : i32
    %eq3A_23 = arith.cmpi eq, %arg0, %eq3A_22 : i32
    %convert_element_type3A_24 = arith.extui %eq3A_23 : i1 to i32
    %cond3A = arith.constant 0 : i32
    %cond3A_25 = arith.cmpi ne, %convert_element_type3A_24, %cond3A : i32
    scf.if %cond3A_25 {
      %broadcast_in_dim3A_31 = arith.constant 0.000000e+00 : f32
      %broadcast_in_dim3A_32 = vector.broadcast %broadcast_in_dim3A_31 : f32 to vector<1x1xf32>
      %swap3A_33 = arith.constant 0 : index
      %swap3A_34 = arith.constant 0 : index
      %swap3A_35 = vector.load %arg4[%swap3A_33, %swap3A_34] : memref<1x1xf32, #tpu.memory_space<vmem>>, vector<1x1xf32>
      tpu.vector_store %arg4[%swap3A_33, %swap3A_34], %broadcast_in_dim3A_32 {strides = array<i32>} : memref<1x1xf32, #tpu.memory_space<vmem>>, vector<1x1xf32>,
    } else {
    }
    %get3A_26 = arith.constant 0 : index
    %get3A_27 = arith.constant 0 : index
    %get3A_28 = vector.load %arg4[%get3A_26, %get3A_27] : memref<1x1xf32, #tpu.memory_space<vmem>>, vector<1x1xf32>
    %add3A = arith.addf %get3A_28, %broadcast_in_dim3A_21 : vector<1x1xf32>
    %swap3A = arith.constant 0 : index
    %swap3A_29 = arith.constant 0 : index
    %swap3A_30 = vector.load %arg4[%swap3A, %swap3A_29] : memref<1x1xf32, #tpu.memory_space<vmem>>, vector<1x1xf32>
    tpu.vector_store %arg4[%swap3A, %swap3A_29], %add3A {strides = array<i32>} : memref<1x1xf32, #tpu.memory_space<vmem>>, vector<1x1xf32>,
    return
  }
  func.func @transform_0(%arg0: i32) -> (i32, i32) {
    %add3A = arith.constant 4 : i32
    %add3A_0 = arith.addi %add3A, %arg0 : i32
    %c0_i32 = arith.constant 0 : i32
    %c0_i32_1 = arith.constant 0 : i32
    return %add3A_0, %c0_i32 : i32, i32
  }
  func.func @transform_1(%arg0: i32) -> (i32, i32) {
    %add3A = arith.constant 4 : i32
    %add3A_0 = arith.addi %add3A, %arg0 : i32
    %c0_i32 = arith.constant 0 : i32
    %c0_i32_1 = arith.constant 0 : i32
    return %add3A_0, %c0_i32 : i32, i32
  }
  func.func @transform_2(%arg0: i32) -> (i32, i32) {
    %c0_i32 = arith.constant 0 : i32
    %c0_i32_0 = arith.constant 0 : i32
    %c0_i32_1 = arith.constant 0 : i32
    return %c0_i32, %c0_i32_0 : i32, i32
  }
  func.func @transform_3(%arg0: i32) -> (i32, i32) {
    %c0_i32 = arith.constant 0 : i32
    %c0_i32_0 = arith.constant 0 : i32
    %c0_i32_1 = arith.constant 0 : i32
    return %c0_i32, %c0_i32_0 : i32, i32
  }
}

</mosaic_0001>

<sc_bundles>
// kernel: kernel.4.cloned.1.call-start
scs
__scs_entry_jumppad:
0x0: {  	(pc) =	sbr.rel $0x88, $3  }
0x1: {  	(tag) =	ssettag $0x0;
	lr =	simm.s32 $0x1  }
0x2: {  	[smem:$0x3F9E] =	sst lr;
	_ =	strace $0xD0000000  }
0x3: {  	_ = 	snop  }
0x4: {  	_ = 	snop  }
0x5: {  	_ = 	snop  }
0x6: {  	_ = 	snop  }
0x7: {  	_ = 	snop  }
__scs_overlays_trampoline_lowered:
0x8: {  	[smem:$0x3FAD] =	sst s0  }
0x9: {  	[smem:$0x3FAE] =	sst s1  }
0xa: {  	[smem:$0x3FAF] =	sst s2  }
0xb: {  	[smem:$0x3FB0] =	sst s3  }
0xc: {  	[smem:$0x3FB1] =	sst s4  }
0xd: {  	[smem:$0x3FB2] =	sst s5  }
0xe: {  	[smem:$0x3FB3] =	sst s6  }
0xf: {  	[smem:$0x3FB4] =	sst s7  }
0x10: {  	[smem:$0x3FB5] =	sst s8  }
0x11: {  	[smem:$0x3FB6] =	sst s9;
	s0 =	simm.s32 @!p0 $0x0  }
0x12: {  	s1 =	sld [smem:$0x3F9C];
	s0 =	simm.s32 @p0 $0x1  }
0x13: {  	[smem:$0x3FB7] =	sst s0;
	s0 =	simm.s32 @!p1 $0x0  }
0x14: {  	s2 =	sld [smem:$0x3F9B];
	s0 =	simm.s32 @p1 $0x1  }
0x15: {  	[smem:$0x3FB8] =	sst s0;
	s0 =	simm.s32 @!p2 $0x0  }
0x16: {  	s3 =	sld [smem:$0x3FDB];
	s0 =	simm.s32 @p2 $0x1  }
0x17: {  	s4 =	simm.s32 $0x1BF5;
	[smem:$0x3FBA] =	sst s0  }
0x18: {  	s0 =	sld [smem:$0x3F9D];
	_ =	swait.ge [sflag:s4], $0x0  }
0x19: {  	s7 =	sld [smem:$0x3F9E]  }
0x1a: {  	s8 =	sadd.s32 $0xFFFFE003, lr  }
0x1b: {  	s9 =	sadd.s32 $0xFFFFFEF7, lr;
	s5 =	simm.s32 $0xFFFFFFFF;
	p2 =	slt.u32 s8, $0xFFFFF086  }
0x1c: {  	p1 =	slt.u32 s9, $0xF7A;
	s5 =	simm.s32 @!p2 $0x0  }
0x1d: {  	s5 =	simm.s32 @p1 $0x1;
	p0 =	seq.s32 s7, s2  }
0x1e: {  	s7 =	smul.u32 @!p0 $0xF7A, s2;
	p2 =	seq.s32 @!p0 s5, $0x0  }
0x1f: {  	s9 =	smul.u32 $0xF7A, s1;
	s8 =	simm.s32 @!p0 $0x1BF5;
	p2 =	por !p2, p0  }
0x20: {  	[sflag:s8] =	ssyncset.s32 @!p0 $0xFFFFF086;
	s6 =	sadd.s32 @!p0 s3, s7;
	s7 =	simm.s32 @!p0 $0x108  }
0x21: {  	s3 =	sadd.s32 s3, s9;
	s6 =	sadd.s32 @!p0 $0x88, s6;
	s7 =	simm.s32 @p2 $0x1082  }
0x22: {  	[simem:s7], [sflag:s8] =	dma.local @!p0 [hbm:s6], $0xF7A  }
0x23: {  	s9 =	sor.u32 $0xD0000000, s2;
	s6 =	simm.s32 $0x108;
	_ =	swait.ge @!p0 [sflag:s8], $0x0  }
0x24: {  	s3 =	sadd.s32 $0x88, s3;
	s6 =	simm.s32 @!p1 $0x1082;
	[sflag:s4] =	ssyncset.s32 $0xFFFFF086  }
0x25: {  	[simem:s6], [sflag:s4] =	dma.local [hbm:s3], $0xF7A  }
0x26: {  	[smem:$0x3F9E] =	sst s1;
	(tag) =	ssettag s2;
	_ =	strace s9  }
0x27: {  	s1 =	sld [smem:$0x3FAE]  }
0x28: {  	s2 =	sld [smem:$0x3FAF]  }
0x29: {  	s4 =	sld [smem:$0x3FB1]  }
0x2a: {  	p0 =	seq.s32 s5, $0x0;
	s5 =	sld [smem:$0x3FB2]  }
0x2b: {  	s6 =	sld [smem:$0x3FB3]  }
0x2c: {  	s7 =	sld [smem:$0x3FB4]  }
0x2d: {  	s3 =	simm.s32 $0x108;
	s8 =	sld [smem:$0x3FB5]  }
0x2e: {  	s3 =	simm.s32 @!p0 $0x1082;
	s9 =	sld [smem:$0x3FB6]  }
0x2f: {  	lr =	sadd.s32 s0, s3;
	s0 =	sld [smem:$0x3FAD]  }
0x30: {  	s3 =	sld [smem:$0x3FB0]  }
0x31: {  	[smem:$0x3FB9] =	sst s10  }
0x32: {  	s10 =	sld [smem:$0x3FB7];
	_ =	sdelay $0x3  }
0x33: {  	p0 =	seq.s32 s10, $0x1;
	s10 =	sld [smem:$0x3FB9];
	_ =	sdelay $0x3  }
0x34: {  	[smem:$0x3FB9] =	sst s10  }
0x35: {  	s10 =	sld [smem:$0x3FB8];
	_ =	sdelay $0x3  }
0x36: {  	p1 =	seq.s32 s10, $0x1;
	s10 =	sld [smem:$0x3FB9];
	_ =	sdelay $0x3  }
0x37: {  	[smem:$0x3FB9] =	sst s10  }
0x38: {  	s10 =	sld [smem:$0x3FBA]  }
0x39: {  	_ = 	snop;
	(pc) =	sbr.ind lr, $3  }
0x3a: {  	_ = 	snop  }
0x3b: {  	_ = 	snop  }
0x3c: {  	p2 =	seq.s32 s10, $0x1;
	s10 =	sld [smem:$0x3FB9]  }
0x3d: {  	_ =	shalt  }
0x3e: {  	_ =	shalt  }
0x3f: {  	_ =	shalt  }
0x40: {  	_ =	shalt  }
0x41: {  	_ =	shalt  }
0x42: {  	_ =	shalt  }
0x43: {  	_ =	shalt  }
0x44: {  	_ =	shalt  }
0x45: {  	_ =	shalt  }
0x46: {  	_ =	shalt  }
0x47: {  	_ =	shalt  }
0x48: {  	_ =	shalt  }
0x49: {  	_ =	shalt  }
0x4a: {  	_ =	shalt  }
0x4b: {  	_ =	shalt  }
0x4c: {  	_ =	shalt  }
0x4d: {  	_ =	shalt  }
0x4e: {  	_ =	shalt  }
0x4f: {  	_ =	shalt  }
0x50: {  	_ =	shalt  }
0x51: {  	_ =	shalt  }
0x52: {  	_ =	shalt  }
0x53: {  	_ =	shalt  }
0x54: {  	_ =	shalt  }
0x55: {  	_ =	shalt  }
0x56: {  	_ =	shalt  }
0x57: {  	_ =	shalt  }
0x58: {  	_ =	shalt  }
0x59: {  	_ =	shalt  }
0x5a: {  	_ =	shalt  }
0x5b: {  	_ =	shalt  }
0x5c: {  	_ =	shalt  }
0x5d: {  	_ =	shalt  }
0x5e: {  	_ =	shalt  }
0x5f: {  	_ =	shalt  }
0x60: {  	_ =	shalt  }
0x61: {  	_ =	shalt  }
0x62: {  	_ =	shalt  }
0x63: {  	_ =	shalt  }
0x64: {  	_ =	shalt  }
0x65: {  	_ =	shalt  }
0x66: {  	_ =	shalt  }
0x67: {  	_ =	shalt  }
0x68: {  	_ =	shalt  }
0x69: {  	_ =	shalt  }
0x6a: {  	_ =	shalt  }
0x6b: {  	_ =	shalt  }
0x6c: {  	_ =	shalt  }
0x6d: {  	_ =	shalt  }
0x6e: {  	_ =	shalt  }
0x6f: {  	_ =	shalt  }
0x70: {  	_ =	shalt  }
0x71: {  	_ =	shalt  }
0x72: {  	_ =	shalt  }
0x73: {  	_ =	shalt  }
0x74: {  	_ =	shalt  }
0x75: {  	_ =	shalt  }
0x76: {  	_ =	shalt  }
0x77: {  	_ =	shalt  }
0x78: {  	_ =	shalt  }
0x79: {  	_ =	shalt  }
0x7a: {  	_ =	shalt  }
0x7b: {  	_ =	shalt  }
0x7c: {  	_ =	shalt  }
0x7d: {  	_ =	shalt  }
0x7e: {  	_ =	shalt  }
0x7f: {  	_ =	shalt  }
0x80: {  	_ =	shalt  }
0x81: {  	_ =	shalt  }
0x82: {  	_ =	shalt  }
0x83: {  	_ =	shalt  }
0x84: {  	_ =	shalt  }
0x85: {  	_ =	shalt  }
0x86: {  	_ =	shalt  }
0x87: {  	_ =	shalt  }
.Lfunc_end0:
.L_simem_size_0:
called_computation_lowered:
.L_overlay_start_0:
0x88: {  	s2 =	sld [smem:$0x3FD9]  }
0x89: {  	s3 =	sld [smem:$0x3FFE];
	_ =	sdelay $0x1  }
0x8a: {  	s1 =	srdreg.scid  }
0x8b: {  	s0 =	sand.u32 $0x1, s1  }
0x8c: {  	s16 =	sshll.u32 s0, $0xA;
	s2 =	sadd.s32 s3, s2  }
0x8d: {  	s2 =	sadd.s32 s2, s16  }
0x8e: {  	[smem:$0x3FC5] =	sst s2  }
0x8f: {  	_ = 	snop  }
0x90: {  	(tm) =	ssettm $0x1  }
0x91: {  	s17 =	sld [smem:$0x3FFB];
	_ =	sdelay $0x3  }
0x92: {  	_ =	strace s17  }
0x93: {  	s2 =	sld [smem:$0x3FFC];
	_ =	sdelay $0x3  }
0x94: {  	_ =	strace s2  }
0x95: {  	s2 =	sld [smem:$0x3FFD];
	_ =	sdelay $0x3  }
0x96: {  	_ =	strace s2  }
0x97: {  	_ =	strace $0x8FFFFFFF  }
0x98: {  	s18 =	sld [smem:$0x3FDB];
	_ =	sdelay $0x1  }
0x99: {  	s19 =	simm.s32 $_scs_section_size  }
0x9a: {  	s4 =	simm.s32 $_size__tile_overlayer_lowered;
	s5 =	simm.s32 $_tile_overlayer_lowered  }
0x9b: {  	s22 =	simm.s32 $0x1BFF;
	s21 =	sshll.u32 s5, $0x1;
	s2 =	sadd.s32 s19, s18  }
0x9c: {  	s6 =	simm.s32 $0x0;
	s20 =	sshll.u32 s4, $0x1;
	s4 =	sadd.s32 s21, s2  }
0x9d: {  	[timem:s6], [sflag:s22] =	dma.local [hbm:s4], s20  }
0x9e: {  	_ =	swait.ge [sflag:s22], s20  }
0x9f: {  	s3 =	ssub.s32 $0x0, s20;
	[sflag:s22] =	ssyncset.done $0x0  }
0xa0: {  	[sflag:s22] =	ssyncadd.s32 s3;
	_ =	sdelay $0x1  }
0xa1: {  	s23 =	simm.s32 $0x1B8B  }
0xa2: {  	_ =	swait.ge [sflag:s23], $0x1  }
0xa3: {  	[sflag:s23] =	ssyncset.done $0x0  }
0xa4: {  	s25 =	simm.s32 $0x1B8E;
	s24 =	sld [smem:$0x3FFE];
	[sflag:s23] =	ssyncadd.s32 $0xFFFFFFFF  }
0xa5: {  	s26 =	simm.s32 $execute0_lowered;
	[smem:$0x3FD2] =	sst s25  }
0xa6: {  	s4 =	sshll.u32 s26, $0x1;
	_ =	strace $0x80000046;
	[dreg:$0x1] =	wrdreg $0xFFFFFFFF  }
0xa7: {  	s28 =	simm.s32 $_size_execute0_lowered;
	s2 =	sadd.s32 s2, s4;
	[dreg:$0x0] =	wrdreg $0x0  }
0xa8: {  	s4 =	sshll.u32 s28, $0x1;
	[dreg:$0x2] =	wrdreg s2  }
0xa9: {  	[dreg:$0x3] =	wrdreg s4  }
0xaa: {  	[dreg:$0x4] =	wrdreg $0xC0  }
0xab: {  	_ =	task [dreg:s6], $0x5FFFF  }
0xac: {  	[dreg:$0x1] =	wrdreg $0xFFFFFFFF  }
0xad: {  	[dreg:$0x0] =	wrdreg $0x60  }
0xae: {  	[dreg:$0x2] =	wrdreg s24  }
0xaf: {  	[dreg:$0x3] =	wrdreg $0x9  }
0xb0: {  	_ =	task.clear_ibuf [dreg:s6], $0x4FFFF;
	_ =	strace $0x90000046  }
0xb1: {  	s29 =	simm.s32 $0x9;
	_ =	strace $0x80000048  }
0xb2: {  	_ =	swait.ge [sflag:s29], $0x1  }
0xb3: {  	[sflag:s29] =	ssyncadd.s32 $0xFFFFFFFF  }
0xb4: {  	_ =	strace $0x90000048  }
0xb5: {  	_ =	sfence  }
0xb6: {  	s30 =	sld [smem:$0x0];
	_ =	sdelay $0x2  }
0xb7: {  	s31 =	sshll.u32 s1, $0xD;
	s1 =	sshrl.u32 s1, $0x2  }
0xb8: {  	s3 =	sand.u32 $0x4000, s31;
	s1 =	sadd.s32 s1, s30  }
0xb9: {  	s0 =	sor.u32 s3, s0;
	s1 =	sshll.u32 s1, $0x11  }
0xba: {  	s0 =	sor.u32 s1, s0  }
0xbb: {  	s0 =	sadd.s32 $0x8F2B, s0  }
0xbc: {  	[sflag:s0] =	ssyncadd.remote.s32 $0x1  }
0xbd: {  	_ =	sfence.sel $0xFFFF  }
0xbe: {  	[dreg:$0x0] =	wrdreg $0xFFFFFFFF;
	(pc) =	sbr.abs _section_cstart, $3  }
0xbf: {  	[dreg:$0x1] =	wrdreg $0xFFFFFFFF  }
0xc0: {  	_ =	task.clear_ibuf [dreg:s6], $0x2FFFF;
	_ =	strace $0x9FFFFFFF  }
0xc1: {  	(tm) =	ssettm $0x7FFFFFFF  }
tec
execute0_lowered:
.L_overlay_start_1:
0x0: {  	(tag) =	ssettag $0x1  }
0x1: {  	s5 =	rddreg [dreg:$0x0]  }
0x2: {  	s0 =	rddreg [dreg:$0x1];
	s3 =	srdreg.scid  }
0x3: {  	s1 =	stileid.u32;
	s2 =	simm.s32 $0x0;
	s12 =	simm.s32 $0x40  }
0x4: {  	s13 =	simm.s32 $0x7D40;
	s14 =	simm.s32 $0x1;
	s15 =	simm.s32 $0x2  }
0x5: {  	s16 =	simm.s32 $0xFA40;
	s17 =	simm.s32 $0x0;
	s6 =	sand.u32 $0x1, s3  }
0x6: {  	s31 =	sshll.u32 s1, $0x1;
	[smem:$0x7FF] =	sst s2;
	s3 =	sadd.s32 $0x200800, s5  }
0x7: {  	s7 =	sor.u32 s6, s31;
	_ =	strace $0x80000047;
	s6 =	ssub.s32 $0x2, s6  }
0x8: {  	s4 =	sshll.u32 s7, $0x3;
	s9 =	sshll.u32 s7, $0x1;
	s10 =	sshrl.u32 s6, $0x1  }
0x9: {  	s11 =	smul.u32 $0x1F40, s7;
	s8 =	sadd.s32 s4, s5;
	s4 =	sadd.s32 $0x23F200, s5  }
0xa: {  	s9 =	sadd.s32 s9, s5;
	s10 =	ssub.s32 s6, s10;
	s5 =	sshll.u32 s7, $0x6  }
0xb: {  	v0 =	vlaneseq.u32;
	s6 =	sadd.s32 $0x23F000, s8;
	s7 =	sadd.s32 s3, s11;
	s8 =	sadd.s32 $0x25DC00, s9  }
0xc: {  	vm0 =	vmmov $0xff;
	v0 =	vmul.u32 $0x3E8, v0;
	s9 =	smax.u32 s10, $0x1;
	s10 =	simm.s32 $0x3;
	s11 =	simm.s32 $0x10  }
.LBB2_1:
0xd: {  	[tilespmem:s2], [sflag:$0x3] =	stream.linear.gather [hbm4b:s6+s2], $0x40, $0x38;
	[tilespmem:$0xFA50] =	vst v63  }
0xe: {  	_ =	swait.ge [sflag:s10], $0x40  }
0xf: {  	[sflag:s10] =	ssyncset.done $0x0  }
0x10: {  	[sflag:s10] =	ssyncadd.s32 $0xFFFFFFC0  }
0x11: {  	[tilespmem:s12], [sflag:$0x1] =	stream.indirect.gather [hbm4b:s4+s11], $0x3E8, s2, s11, $0xb8;
	[tilespmem:$0xFA50] =	vst v63  }
0x12: {  	p0 =	por $0x0, $0x0;
	s19 =	simm.s32 $0x0  }
0x13: {  	v1 =	vimm.f32 $0.0e+00;
	[tilespmem:s13], [sflag:$0x2] =	stream.linear.gather [hbm4b:s7+s2], $0x3E80, $0x38;
	[tilespmem:$0xFA50] =	vst v63  }
.LBB2_2:
0x14: {  	s20 =	sand.u32 $0x1, s19;
	p1 =	seq.s32 s19, $0x3  }
0x15: {  	s18 =	sadd.s32 $0x1, s19;
	s21 =	sxor.u32 @!p1 $0x1, s20  }
0x16: {  	s22 =	sshll.u32 @!p1 s18, $0x4;
	s21 =	smul.u32 @!p1 $0x3E80, s21  }
0x17: {  	s24 =	sadd.s32 @!p1 s5, s22  }
0x18: {  	s26 =	simm.s32 @!p1 $0x10;
	s24 =	smul.u32 @!p1 $0x7D, s24;
	s25 =	sor.u32 @!p1 $0x40, s21  }
0x19: {  	[tilespmem:s25], [sflag:$0x1] =	stream.indirect.gather @!p1 [hbm4b:s4+s26], $0x3E8, s22, s26, $0xb8;
	[tilespmem:$0xFA50] =	vst v63  }
0x1a: {  	s21 =	sadd.s32 @!p1 $0x7D40, s21;
	s22 =	sadd.s32 @!p1 s3, s24;
	s24 =	simm.s32 @!p1 $0x0  }
0x1b: {  	[tilespmem:s21], [sflag:$0x2] =	stream.linear.gather @!p1 [hbm4b:s22+s24], $0x3E80, $0x38;
	[tilespmem:$0xFA50] =	vst v63  }
0x1c: {  	s23 =	simm.s32 $0x1;
	_ =	swait.ge [sflag:s14], $0x3E80  }
0x1d: {  	s23 =	simm.s32 @!p0 $0x0;
	[sflag:s14] =	ssyncset.done $0x0  }
0x1e: {  	s30 =	smul.u32 $0xFA00, s23;
	[sflag:s14] =	ssyncadd.s32 $0xFFFFC180  }
0x1f: {  	s20 =	smul.u32 $0x3E80, s20;
	_ =	swait.ge [sflag:s15], $0x3E80  }
0x20: {  	s23 =	simm.s32 $0x0;
	s31 =	sshrl.u32 s30, $0x2;
	[sflag:s15] =	ssyncset.done $0x0  }
0x21: {  	s21 =	sadd.s32 $0x7D60, s31;
	s22 =	sor.u32 $0x60, s31;
	[sflag:s15] =	ssyncadd.s32 $0xFFFFC180  }
.LBB2_3:
0x22: {  	v2 =	vld [tilespmem:s21+$0x10]  }
0x23: {  	v3 =	vld [tilespmem:s22+$0x10]  }
0x24: {  	v4 =	vld [tilespmem:s21+$0x0]  }
0x25: {  	v5 =	vld [tilespmem:s22+$0x0]  }
0x26: {  	v6 =	vld [tilespmem:s21+$0xFFFFFFF0]  }
0x27: {  	v7 =	vld [tilespmem:s22+$0xFFFFFFF0]  }
0x28: {  	v8 =	vld [tilespmem:s21+$0xFFFFFFE0]  }
0x29: {  	v9 =	vld [tilespmem:s22+$0xFFFFFFE0];
	_ =	sdelay $0x1  }
0x2a: {  	v2 =	vsub.f32 v2, v3  }
0x2b: {  	v3 =	vsub.f32 v4, v5  }
0x2c: {  	v4 =	vsub.f32 v6, v7;
	v2 =	vmul.f32 $1.442695020e+00, v2  }
0x2d: {  	v5 =	vsub.f32 v8, v9;
	v3 =	vmul.f32 $1.442695020e+00, v3  }
0x2e: {  	v4 =	vmul.f32 $1.442695020e+00, v4;
	(erf) = vpow2.f32 v2  }
0x2f: {  	v2 =	vmul.f32 $1.442695020e+00, v5;
	(erf) = vpow2.f32 v3  }
0x30: {  	(erf) = vpow2.f32 v4  }
0x31: {  	(erf) = vpow2.f32 v2;
	_ =	sdelay $0x2  }
0x32: {  	s28 =	sadd.s32 $0x40, s21  }
0x33: {  	s24 =	sadd.s32 $0x40, s22;
	v10 =	vld [tilespmem:s28+$0xFFFFFFF0]  }
0x34: {  	v11 =	vld [tilespmem:s24+$0xFFFFFFF0]  }
0x35: {  	v7 =	vld [tilespmem:s28+$0x0];
	v2 =	vpop (erf)  }
0x36: {  	v5 =	vld [tilespmem:s24+$0x10];
	v4 =	vpop (erf)  }
0x37: {  	v3 =	vld [tilespmem:s28+$0x10];
	v6 =	vpop (erf)  }
0x38: {  	v9 =	vld [tilespmem:s24+$0x0];
	v8 =	vpop (erf)  }
0x39: {  	v10 =	vsub.f32 v10, v11;
	v8 =	vadd.f32 $1.000000000e+00, v8;
	_ =	sdelay $0x1  }
0x3a: {  	v10 =	vmul.f32 $1.442695020e+00, v10;
	v6 =	vadd.f32 $1.000000000e+00, v6;
	v12 =	vand.u32 $0x7FFFFF, v8  }
0x3b: {  	v5 =	vsub.f32 v3, v5;
	v4 =	vadd.f32 $1.000000000e+00, v4;
	v3 =	vor.u32 $0x3F800000, v12  }
0x3c: {  	v13 =	vld [tilespmem:s28+$0xFFFFFFE0];
	v7 =	vsub.f32 v7, v9;
	v12 =	vadd.f32 $-1.000000000e+00, v3;
	v3 =	vand.u32 $0x7FFFFF, v6  }
0x3d: {  	v9 =	vld [tilespmem:s24+$0xFFFFFFE0];
	v15 =	vadd.f32 $1.000000000e+00, v2;
	v14 =	vand.u32 $0x7FFFFF, v4;
	v3 =	vor.u32 $0x3F800000, v3  }
0x3e: {  	v2 =	vmul.f32 $1.741407810e-02, v12;
	v16 =	vadd.f32 $-1.000000000e+00, v3;
	v3 =	vor.u32 $0x3F800000, v14  }
0x3f: {  	v7 =	vmul.f32 $1.442695020e+00, v7;
	v11 =	vand.u32 $0x7FFFFF, v15;
	v3 =	vadd.f32 $-1.000000000e+00, v3  }
0x40: {  	v5 =	vmul.f32 $1.442695020e+00, v5;
	v14 =	vsub.f32 $8.269123730e-02, v2;
	v2 =	vor.u32 $0x3F800000, v11  }
0x41: {  	v17 =	vmul.f32 $1.741407810e-02, v16;
	v11 =	vmul.f32 $1.741407810e-02, v3;
	v2 =	vadd.f32 $-1.000000000e+00, v2  }
0x42: {  	v9 =	vsub.f32 v13, v9;
	(erf) = vpow2.f32 v5;
	v13 =	vmul.f32 v14, v12  }
0x43: {  	v14 =	vsub.f32 $8.269123730e-02, v17;
	v11 =	vsub.f32 $8.269123730e-02, v11;
	v17 =	vmul.f32 $1.741407810e-02, v2  }
0x44: {  	v9 =	vmul.f32 $1.442695020e+00, v9;
	(erf) = vpow2.f32 v7;
	v13 =	vadd.f32 $-1.903543320e-01, v13  }
0x45: {  	v14 =	vmul.f32 v14, v16;
	v11 =	vmul.f32 v11, v3;
	v17 =	vsub.f32 $8.269123730e-02, v17  }
0x46: {  	(erf) = vpow2.f32 v10;
	v5 =	vmul.f32 v13, v12  }
0x47: {  	v13 =	vadd.f32 $-1.903543320e-01, v14;
	v7 =	vadd.f32 $-1.903543320e-01, v11;
	v11 =	vmul.f32 v17, v2  }
0x48: {  	(erf) = vpow2.f32 v9  }
0x49: {  	v5 =	vadd.f32 $3.157473210e-01, v5;
	v10 =	vmul.f32 v13, v16;
	v9 =	vadd.f32 $-1.903543320e-01, v11  }
0x4a: {  	v7 =	vmul.f32 v7, v3  }
0x4b: {  	v5 =	vmul.f32 v5, v12;
	v10 =	vadd.f32 $3.157473210e-01, v10;
	v9 =	vmul.f32 v9, v2  }
0x4c: {  	v4 =	vshra.s32 v4, $0x17;
	v13 =	vshra.s32 v6, $0x17;
	v7 =	vadd.f32 $3.157473210e-01, v7  }
0x4d: {  	v5 =	vadd.f32 $-4.973732230e-01, v5;
	v6 =	vmul.f32 v10, v16;
	v9 =	vadd.f32 $3.157473210e-01, v9  }
0x4e: {  	v11 =	vshra.s32 v15, $0x17;
	v13 =	vadd.s32 $0xFFFFFF81, v13;
	v7 =	vmul.f32 v7, v3  }
0x4f: {  	v5 =	vmul.f32 v5, v12;
	v14 =	vadd.f32 $-4.973732230e-01, v6;
	v9 =	vmul.f32 v9, v2  }
0x50: {  	v10 =	vshra.s32 v8, $0x17;
	v6 =	vadd.s32 $0xFFFFFF81, v11;
	v7 =	vadd.f32 $-4.973732230e-01, v7  }
0x51: {  	v11 =	vadd.f32 $9.998477100e-01, v5;
	v14 =	vmul.f32 v14, v16;
	v9 =	vadd.f32 $-4.973732230e-01, v9  }
0x52: {  	v8 =	vadd.s32 $0xFFFFFF81, v4;
	v4 =	vpop (erf);
	v10 =	vadd.s32 $0xFFFFFF81, v10;
	v15 =	vmul.f32 v7, v3  }
0x53: {  	s25 =	smul.u32 $0x3E8, s23;
	v18 =	vcvt.s32.f32 v10;
	v5 =	vpop (erf);
	v17 =	vmul.f32 v11, v12;
	v19 =	vadd.f32 $9.998477100e-01, v14  }
0x54: {  	v10 =	vcvt.s32.f32 v13;
	v7 =	vpop (erf);
	v12 =	vadd.f32 $9.998477100e-01, v15;
	v11 =	vmul.f32 v9, v2  }
0x55: {  	s26 =	simm.s32 $0x4;
	s25 =	sadd.s32 s20, s25;
	s28 =	sadd.s32 $0x40, s28;
	v14 =	vmul.f32 $6.931471820e-01, v18;
	v13 =	vadd.f32 $1.472065040e-06, v17;
	v15 =	vmul.f32 v19, v16;
	v9 =	vpop (erf)  }
.LBB2_4:
0x56: {  	v16 =	vld [tilespmem:s28+$0x10];
	s24 =	sadd.s32 $0x40, s24;
	v3 =	vmul.f32 v12, v3;
	v8 =	vcvt.s32.f32 v8;
	v11 =	vadd.f32 $9.998477100e-01, v11  }
0x57: {  	v10 =	vmul.f32 $6.931471820e-01, v10;
	v12 =	vld [tilespmem:s24+$0x10];
	v13 =	vadd.f32 v13, v14;
	v14 =	vadd.f32 $1.472065040e-06, v15  }
0x58: {  	v6 =	vcvt.s32.f32 v6;
	v15 =	vld [tilespmem:s28+$0x0];
	v3 =	vadd.f32 $1.472065040e-06, v3;
	v2 =	vmul.f32 v11, v2  }
0x59: {  	v8 =	vmul.f32 $6.931471820e-01, v8;
	v11 =	vld [tilespmem:s24+$0x0];
	v1 =	vadd.f32 v13, v1;
	v10 =	vadd.f32 v14, v10  }
0x5a: {  	v9 =	vadd.f32 $1.000000000e+00, v9;
	v2 =	vadd.f32 $1.472065040e-06, v2  }
0x5b: {  	v6 =	vmul.f32 $6.931471820e-01, v6;
	v3 =	vadd.f32 v3, v8;
	v1 =	vadd.f32 v10, v1  }
0x5c: {  	v7 =	vadd.f32 $1.000000000e+00, v7;
	v8 =	vld [tilespmem:s28+$0xFFFFFFF0];
	v10 =	vsub.f32 v16, v12  }
0x5d: {  	v13 =	vand.u32 $0x7FFFFF, v9;
	v2 =	vadd.f32 v2, v6;
	v12 =	vld [tilespmem:s24+$0xFFFFFFF0];
	v1 =	vadd.f32 v3, v1  }
0x5e: {  	v5 =	vadd.f32 $1.000000000e+00, v5;
	v3 =	vor.u32 $0x3F800000, v13;
	v6 =	vld [tilespmem:s28+$0xFFFFFFE0];
	v11 =	vsub.f32 v15, v11  }
0x5f: {  	v14 =	vadd.f32 $-1.000000000e+00, v3;
	v3 =	vand.u32 $0x7FFFFF, v7;
	v13 =	vld [tilespmem:s24+$0xFFFFFFE0];
	v1 =	vadd.f32 v2, v1  }
0x60: {  	v4 =	vadd.f32 $1.000000000e+00, v4;
	v2 =	vor.u32 $0x3F800000, v3;
	v3 =	vand.u32 $0x7FFFFF, v5  }
0x61: {  	v15 =	vmul.f32 $1.741407810e-02, v14;
	v16 =	vadd.f32 $-1.000000000e+00, v2;
	v2 =	vor.u32 $0x3F800000, v3  }
0x62: {  	v3 =	vadd.f32 $-1.000000000e+00, v2;
	v2 =	vand.u32 $0x7FFFFF, v4;
	v8 =	vsub.f32 v8, v12  }
0x63: {  	v12 =	vsub.f32 $8.269123730e-02, v15;
	v15 =	vmul.f32 $1.741407810e-02, v16;
	v2 =	vor.u32 $0x3F800000, v2  }
0x64: {  	v2 =	vadd.f32 $-1.000000000e+00, v2;
	v6 =	vsub.f32 v6, v13;
	v13 =	vmul.f32 $1.741407810e-02, v3  }
0x65: {  	v10 =	vmul.f32 $1.442695020e+00, v10;
	v12 =	vmul.f32 v12, v14;
	v15 =	vsub.f32 $8.269123730e-02, v15  }
0x66: {  	v11 =	vmul.f32 $1.442695020e+00, v11;
	v17 =	vmul.f32 $1.741407810e-02, v2;
	v13 =	vsub.f32 $8.269123730e-02, v13  }
0x67: {  	v8 =	vmul.f32 $1.442695020e+00, v8;
	v12 =	vadd.f32 $-1.903543320e-01, v12;
	v15 =	vmul.f32 v15, v16  }
0x68: {  	v6 =	vmul.f32 $1.442695020e+00, v6;
	v17 =	vsub.f32 $8.269123730e-02, v17;
	v13 =	vmul.f32 v13, v3  }
0x69: {  	(erf) = vpow2.f32 v10;
	v10 =	vmul.f32 v12, v14;
	v12 =	vadd.f32 $-1.903543320e-01, v15  }
0x6a: {  	s26 =	sadd.s32 $0x4, s26;
	(erf) = vpow2.f32 v11;
	v11 =	vadd.f32 $-1.903543320e-01, v13;
	v13 =	vmul.f32 v17, v2  }
0x6b: {  	p1 =	slt.u32 s26, $0x38;
	(erf) = vpow2.f32 v8;
	v8 =	vadd.f32 $3.157473210e-01, v10;
	v10 =	vmul.f32 v12, v16  }
0x6c: {  	(erf) = vpow2.f32 v6;
	v6 =	vmul.f32 v11, v3;
	v11 =	vadd.f32 $-1.903543320e-01, v13  }
0x6d: {  	v4 =	vshra.s32 v4, $0x17;
	v8 =	vmul.f32 v8, v14;
	v10 =	vadd.f32 $3.157473210e-01, v10  }
0x6e: {  	v5 =	vshra.s32 v5, $0x17;
	v6 =	vadd.f32 $3.157473210e-01, v6;
	v11 =	vmul.f32 v11, v2  }
0x6f: {  	v7 =	vshra.s32 v7, $0x17;
	v8 =	vadd.f32 $-4.973732230e-01, v8;
	v10 =	vmul.f32 v10, v16  }
0x70: {  	v9 =	vshra.s32 v9, $0x17;
	v12 =	vmul.f32 v6, v3;
	v11 =	vadd.f32 $3.157473210e-01, v11  }
0x71: {  	v6 =	vadd.s32 $0xFFFFFF81, v4;
	v13 =	vmul.f32 v8, v14;
	v10 =	vadd.f32 $-4.973732230e-01, v10  }
0x72: {  	v8 =	vadd.s32 $0xFFFFFF81, v5;
	v4 =	vpop (erf);
	v12 =	vadd.f32 $-4.973732230e-01, v12;
	v11 =	vmul.f32 v11, v2  }
.Ltmp0:
0x73: {  	v15 =	vadd.s32 $0xFFFFFF81, v7;
	v5 =	vpop (erf);
	v13 =	vadd.f32 $9.998477100e-01, v13;
	v10 =	vmul.f32 v10, v16;
	(pc) =	sbr.rel @p1 .LBB2_4-.Ltmp0, $4  }
0x74: {  	v17 =	vadd.s32 $0xFFFFFF81, v9;
	v7 =	vpop (erf);
	v12 =	vmul.f32 v12, v3;
	v11 =	vadd.f32 $-4.973732230e-01, v11  }
0x75: {  	v9 =	vpop (erf);
	v13 =	vmul.f32 v13, v14;
	v14 =	vcvt.s32.f32 v17;
	v17 =	vadd.f32 $9.998477100e-01, v10  }
0x76: {  	v10 =	vcvt.s32.f32 v15;
	v12 =	vadd.f32 $9.998477100e-01, v12;
	v11 =	vmul.f32 v11, v2  }
0x77: {  	s28 =	sadd.s32 $0x40, s28;
	v13 =	vadd.f32 $1.472065040e-06, v13;
	v14 =	vmul.f32 $6.931471820e-01, v14;
	v15 =	vmul.f32 v17, v16  }
0x78: {  	v10 =	vmul.f32 $6.931471820e-01, v10  }
0x79: {  	v3 =	vmul.f32 v12, v3;
	v11 =	vadd.f32 $9.998477100e-01, v11;
	v9 =	vadd.f32 $1.000000000e+00, v9  }
0x7a: {  	v8 =	vcvt.s32.f32 v8;
	v7 =	vadd.f32 $1.000000000e+00, v7;
	v5 =	vadd.f32 $1.000000000e+00, v5  }
0x7b: {  	v6 =	vcvt.s32.f32 v6;
	v4 =	vadd.f32 $1.000000000e+00, v4;
	v13 =	vadd.f32 v13, v14  }
0x7c: {  	v23 =	vadd.f32 $1.472065040e-06, v15;
	v3 =	vadd.f32 $1.472065040e-06, v3;
	v8 =	vmul.f32 $6.931471820e-01, v8  }
0x7d: {  	v2 =	vmul.f32 v11, v2;
	v25 =	vand.u32 $0x7FFFFF, v9;
	v27 =	vand.u32 $0x7FFFFF, v7  }
0x7e: {  	v24 =	vld [tilespmem:s25+$0x8100];
	v28 =	vand.u32 $0x7FFFFF, v5;
	v1 =	vadd.f32 v13, v1;
	v10 =	vadd.f32 v23, v10  }
0x7f: {  	v26 =	vld [tilespmem:s25+$0x400];
	v31 =	vand.u32 $0x7FFFFF, v4;
	v6 =	vmul.f32 $6.931471820e-01, v6;
	v40 =	vshra.s32 v7, $0x17  }
0x80: {  	v30 =	vld [tilespmem:s25+$0x8110];
	v9 =	vshra.s32 v9, $0x17;
	v3 =	vadd.f32 v3, v8;
	v1 =	vadd.f32 v10, v1  }
0x81: {  	v32 =	vld [tilespmem:s25+$0x410];
	v4 =	vshra.s32 v4, $0x17;
	v5 =	vshra.s32 v5, $0x17;
	v8 =	vor.u32 $0x3F800000, v25  }
0x82: {  	v17 =	vld [tilespmem:s25+$0x8118];
	v1 =	vadd.f32 v3, v1;
	v3 =	vadd.f32 $-1.000000000e+00, v8;
	v8 =	vor.u32 $0x3F800000, v27  }
0x83: {  	v19 =	vld [tilespmem:s25+$0x418];
	v12 =	vor.u32 $0x3F800000, v28;
	v15 =	vor.u32 $0x3F800000, v31;
	v8 =	vadd.f32 $-1.000000000e+00, v8  }
0x84: {  	v9 =	vadd.s32 $0xFFFFFF81, v9;
	v4 =	vadd.s32 $0xFFFFFF81, v4;
	v12 =	vadd.f32 $-1.000000000e+00, v12  }
0x85: {  	v15 =	vadd.f32 $-1.000000000e+00, v15;
	v10 =	vsub.f32 v24, v26;
	v16 =	vmul.f32 $1.741407810e-02, v8  }
0x86: {  	v5 =	vadd.s32 $0xFFFFFF81, v5;
	v11 =	vsub.f32 v30, v32;
	v18 =	vmul.f32 $1.741407810e-02, v12  }
0x87: {  	v33 =	vmul.f32 $1.741407810e-02, v15;
	v10 =	vmul.f32 $1.442695020e+00, v10;
	v16 =	vsub.f32 $8.269123730e-02, v16  }
0x88: {  	v35 =	vsub.f32 v17, v19;
	v11 =	vmul.f32 $1.442695020e+00, v11;
	v29 =	vmul.f32 $1.741407810e-02, v3  }
0x89: {  	(erf) = vpow2.f32 v10;
	v10 =	vsub.f32 $8.269123730e-02, v33;
	v16 =	vmul.f32 v16, v8  }
0x8a: {  	v18 =	vsub.f32 $8.269123730e-02, v18;
	(erf) = vpow2.f32 v11;
	v13 =	vsub.f32 $8.269123730e-02, v29  }
0x8b: {  	v10 =	vmul.f32 v10, v15;
	v34 =	vadd.f32 $-1.903543320e-01, v16;
	v16 =	vmul.f32 $1.442695020e+00, v35  }
0x8c: {  	v2 =	vadd.f32 $1.472065040e-06, v2;
	v18 =	vmul.f32 v18, v12;
	v13 =	vmul.f32 v13, v3  }
0x8d: {  	v5 =	vcvt.s32.f32 v5;
	v10 =	vadd.f32 $-1.903543320e-01, v10;
	(erf) = vpow2.f32 v16  }
0x8e: {  	v4 =	vcvt.s32.f32 v4;
	v36 =	vadd.f32 $-1.903543320e-01, v18;
	v13 =	vadd.f32 $-1.903543320e-01, v13  }
0x8f: {  	v2 =	vadd.f32 v2, v6;
	v5 =	vmul.f32 $6.931471820e-01, v5;
	v10 =	vmul.f32 v10, v15  }
0x90: {  	v6 =	vadd.s32 $0xFFFFFF81, v40;
	v17 =	vmul.f32 v36, v12;
	v13 =	vmul.f32 v13, v3  }
0x91: {  	v1 =	vadd.f32 v2, v1;
	v10 =	vadd.f32 $3.157473210e-01, v10;
	v14 =	vmul.f32 v34, v8  }
0x92: {  	v4 =	vmul.f32 $6.931471820e-01, v4;
	v39 =	vadd.f32 $3.157473210e-01, v17;
	v41 =	vpop (erf);
	v13 =	vadd.f32 $3.157473210e-01, v13  }
0x93: {  	v7 =	vadd.f32 $1.000000000e+00, v41;
	v10 =	vmul.f32 v10, v15;
	v43 =	vpop (erf);
	v38 =	vadd.f32 $3.157473210e-01, v14  }
0x94: {  	v44 =	vadd.f32 $1.000000000e+00, v43;
	v37 =	vmul.f32 v13, v3;
	v13 =	vmul.f32 v39, v12  }
0x95: {  	v42 =	vand.u32 $0x7FFFFF, v7;
	v10 =	vadd.f32 $-4.973732230e-01, v10;
	v7 =	vshra.s32 v7, $0x17  }
0x96: {  	v11 =	vmul.f32 v38, v8;
	v14 =	vor.u32 $0x3F800000, v42;
	v2 =	vadd.f32 $-4.973732230e-01, v37;
	v45 =	vpop (erf)  }
0x97: {  	v47 =	vand.u32 $0x7FFFFF, v44;
	v14 =	vadd.f32 $-1.000000000e+00, v14;
	v16 =	vadd.f32 $1.000000000e+00, v45  }
0x98: {  	v18 =	vor.u32 $0x3F800000, v47;
	v11 =	vadd.f32 $-4.973732230e-01, v11;
	v2 =	vmul.f32 v2, v3  }
0x99: {  	v18 =	vadd.f32 $-1.000000000e+00, v18;
	v46 =	vmul.f32 $1.741407810e-02, v14;
	v48 =	vand.u32 $0x7FFFFF, v16  }
0x9a: {  	v11 =	vmul.f32 v11, v8;
	v2 =	vadd.f32 $9.998477100e-01, v2;
	v19 =	vor.u32 $0x3F800000, v48  }
0x9b: {  	v51 =	vmul.f32 $1.741407810e-02, v18;
	v17 =	vsub.f32 $8.269123730e-02, v46;
	v50 =	vadd.f32 $-1.000000000e+00, v19  }
0x9c: {  	v7 =	vadd.s32 $0xFFFFFF81, v7;
	v2 =	vmul.f32 v2, v3;
	v3 =	vcvt.s32.f32 v9  }
0x9d: {  	v11 =	vadd.f32 $9.998477100e-01, v11;
	v49 =	vmul.f32 v17, v14;
	v19 =	vmul.f32 $-1.741407810e-02, v50  }
0x9e: {  	v52 =	vsub.f32 $8.269123730e-02, v51;
	v3 =	vmul.f32 $6.931471820e-01, v3;
	v2 =	vadd.f32 $1.472065040e-06, v2  }
0x9f: {  	v8 =	vmul.f32 v11, v8;
	v11 =	vadd.f32 $-1.903543320e-01, v49;
	v53 =	vadd.f32 $8.269123730e-02, v19  }
0xa0: {  	v2 =	vadd.f32 v2, v3;
	v3 =	vcvt.s32.f32 v6;
	v6 =	vmul.f32 v52, v18  }
0xa1: {  	v59 =	vshra.s32 v44, $0x17;
	v13 =	vadd.f32 $-4.973732230e-01, v13;
	v54 =	vmul.f32 v53, v50  }
0xa2: {  	v10 =	vmul.f32 v10, v15;
	v11 =	vmul.f32 v11, v14;
	v6 =	vadd.f32 $-1.903543320e-01, v6  }
0xa3: {  	v8 =	vadd.f32 $1.472065040e-06, v8;
	v3 =	vmul.f32 $6.931471820e-01, v3;
	v55 =	vadd.f32 $-1.903543320e-01, v54  }
0xa4: {  	v1 =	vadd.f32 v2, v1;
	v2 =	vadd.f32 $3.157473210e-01, v11;
	v6 =	vmul.f32 v6, v18  }
0xa5: {  	v13 =	vmul.f32 v13, v12;
	v3 =	vadd.f32 v8, v3;
	v8 =	vmul.f32 v55, v50  }
0xa6: {  	v10 =	vadd.f32 $9.998477100e-01, v10;
	v2 =	vmul.f32 v2, v14;
	v6 =	vadd.f32 $3.157473210e-01, v6  }
0xa7: {  	v58 =	vcvt.s32.f32 v7;
	v13 =	vadd.f32 $9.998477100e-01, v13;
	v8 =	vadd.f32 $3.157473210e-01, v8  }
0xa8: {  	v2 =	vadd.f32 $-4.973732230e-01, v2;
	v1 =	vadd.f32 v3, v1;
	v3 =	vmul.f32 v6, v18  }
0xa9: {  	v7 =	vadd.s32 $0xFFFFFF81, v59;
	v12 =	vmul.f32 v13, v12;
	v57 =	vmul.f32 v8, v50  }
0xaa: {  	v10 =	vmul.f32 v10, v15;
	v2 =	vmul.f32 v2, v14;
	v3 =	vadd.f32 $-4.973732230e-01, v3  }
0xab: {  	v7 =	vcvt.s32.f32 v7;
	v56 =	vadd.f32 $1.472065040e-06, v12;
	v6 =	vadd.f32 $-4.973732230e-01, v57  }
0xac: {  	v10 =	vadd.f32 $1.472065040e-06, v10;
	v2 =	vadd.f32 $9.998477100e-01, v2;
	v3 =	vmul.f32 v3, v18  }
0xad: {  	v60 =	vshra.s32 v16, $0x17;
	v5 =	vadd.f32 v56, v5;
	v6 =	vmul.f32 v6, v50  }
0xae: {  	v4 =	vadd.f32 v10, v4;
	v2 =	vmul.f32 v2, v14;
	v3 =	vadd.f32 $9.998477100e-01, v3  }
0xaf: {  	v1 =	vadd.f32 v5, v1;
	v5 =	vmul.f32 $6.931471820e-01, v58;
	v6 =	vadd.f32 $9.998477100e-01, v6  }
0xb0: {  	v8 =	vadd.s32 $0xFFFFFF81, v60;
	v2 =	vadd.f32 $1.472065040e-06, v2;
	v3 =	vmul.f32 v3, v18  }
0xb1: {  	v1 =	vadd.f32 v4, v1;
	v62 =	vcvt.s32.f32 v8;
	v61 =	vmul.f32 v6, v50  }
0xb2: {  	s23 =	sadd.s32 $0x1, s23;
	v63 =	vmul.f32 $6.931471820e-01, v7;
	v2 =	vadd.f32 v2, v5;
	v3 =	vadd.f32 $1.472065040e-06, v3  }
0xb3: {  	p1 =	sne.s32 s23, $0x10;
	v6 =	vmul.f32 $6.931471820e-01, v62;
	v4 =	vadd.f32 $1.472065040e-06, v61  }
.Ltmp1:
0xb4: {  	v1 =	vadd.f32 v2, v1;
	v2 =	vadd.f32 v3, v63;
	(pc) =	sbr.rel @p1 .LBB2_3-.Ltmp1, $4  }
0xb5: {  	v3 =	vadd.f32 v4, v6  }
0xb6: {  	v1 =	vadd.f32 v2, v1  }
0xb7: {  	v2 =	vsel vm0, $0x0, v3  }
0xb8: {  	s21 =	sadd.s32 $0x3E8, s21;
	s22 =	sadd.s32 $0x3E8, s22;
	v1 =	vadd.f32 v2, v1  }
0xb9: {  	s19 =	sshll.u32 s19, $0x4  }
0xba: {  	s19 =	sand.u32 $0x3FFFFFF0, s19  }
0xbb: {  	v2 =	vld [tilespmem:s19+$0x0];
	_ =	sdelay $0x4  }
0xbc: {  	v2 =	vadd.s32 v0, v2;
	_ =	sdelay $0x4  }
0xbd: {  	v3 =	vld.idx.msk [tilespmem:v2+s20+$0x7D40], $0xffff  }
0xbe: {  	v2 =	vld.idx.msk [tilespmem:v2+s20+$0x40], $0xffff;
	_ =	sdelay $0x1  }
0xbf: {  	p1 =	sne.s32 s18, $0x4  }
.Ltmp2:
0xc0: {  	_ = 	snop;
	(pc) =	sbr.rel @p1 .LBB2_2-.Ltmp2, $3  }
0xc1: {  	_ = 	snop  }
0xc2: {  	v2 =	vsub.f32 v2, v3;
	_ =	sdelay $0x1  }
0xc3: {  	p0 =	por !p0, !p0;
	s19 =	smov.u32 s18;
	v1 =	vadd.f32 v2, v1  }
0xc4: {  	s17 =	sadd.s32 $0x1, s17  }
0xc5: {  	p0 =	sne.s32 s17, s9  }
.Ltmp3:
0xc6: {  	[tilespmem:$0xFA40] =	vst v1;
	(pc) =	sbr.rel @p0 .LBB2_1-.Ltmp3, $4  }
0xc7: {  	[hbm4b:s8+s2] =	stream.linear.scatter [tilespmem:s16], [sflag:$0x3], $0x10, $0x38;
	[tilespmem:$0xFA50] =	vst v63  }
0xc8: {  	_ =	swait.ge [sflag:s10], $0x10  }
0xc9: {  	[sflag:s10] =	ssyncset.done $0x0  }
0xca: {  	[sflag:s10] =	ssyncadd.s32 $0xFFFFFFF0  }
0xcb: {  	_ =	sfence.sel $0x180000  }
0xcc: {  	[bflag:$0x0] =	sbarrier.arrive $0xFFFF  }
0xcd: {  	p0 =	sne.s32 s1, $0x0;
	_ =	strace $0x90000047  }
0xce: {  	s0 =	sadd.s32 @!p0 $0x100000, s0;
	[bflag:$0x2] =	sbarrier.arrive $0xFFFF  }
0xcf: {  	[sflag:s0] =	ssyncadd.tile.s32 @!p0 $0x1;
	_ =	shalt  }
.Lfunc_end2:
_tile_overlayer_lowered:
.L_overlay_start_2:
0xd0: {  	(tag) =	ssettag $0x2  }
0xd1: {  	s0 =	rddreg [dreg:$0x0];
	s2 =	stileid.u32  }
0xd2: {  	s1 =	rddreg [dreg:$0x1];
	p0 =	sne.s32 s2, $0x0  }
0xd3: {  	s3 =	rddreg [dreg:$0x2];
	[bflag:$0x3] =	sbarrier.arrive $0xFFFF;
	s2 =	simm.s32 @!p0 $0x1C03  }
0xd4: {  	[timem:s3], [sflag:s2] =	dma.local @!p0 [hbm:s0], s1  }
0xd5: {  	s0 =	simm.s32 @!p0 $0x3  }
0xd6: {  	_ =	swait.ge @!p0 [sflag:s0], s1  }
0xd7: {  	s1 =	ssub.s32 @!p0 $0x0, s1;
	[sflag:s0] =	ssyncset.done @!p0 $0x0  }
0xd8: {  	[sflag:s0] =	ssyncadd.s32 @!p0 s1  }
0xd9: {  	[bflag:$0x3] =	sbarrier.arrive $0xFFFF  }
0xda: {  	_ =	shalt  }

</sc_bundles>
